<compile_context>
chip_gen: v7x
topology: tpu7x:2x2x1
jax: 0.10.2.dev20260603
libtpu: 0.0.44.dev20260713+nightly
codegen_flags: <defaults>
</compile_context>

<pallas_src>
import jax
import jax.numpy as jnp
from jax import lax
from jax.experimental import pallas as pl
from jax.experimental.pallas import tpu as pltpu
from jax.experimental.pallas import tpu_sc as plsc

_EPS = 1e-5
_GRID = 10
_NODE_ROWS = 10000
_EDGE_ROWS = 320000
_BL = _EDGE_ROWS // _GRID

_NW = 32
_SC_ROWS = 2000
_TC_ROWS = _NODE_ROWS - _SC_ROWS
_NBLK = _TC_ROWS // _GRID
_CROWS = 40
_NCHUNKS = _SC_ROWS // _CROWS
_JMAX = (_NCHUNKS + _NW - 1) // _NW


def _tc_body(n_ref, e_ref, t_ref, ng_ref, nb_ref, m_ref, eg_ref, eb_ref,
             tg_ref, tb_ref, no_ref, eo_ref, to_ref):
    x = n_ref[...]
    mu = jnp.mean(x, axis=-1, keepdims=True)
    xc = x - mu
    var = jnp.mean(xc * xc, axis=-1, keepdims=True)
    no_ref[...] = xc * jax.lax.rsqrt(var + _EPS) * ng_ref[...] + nb_ref[...]

    row8 = jax.lax.broadcasted_iota(jnp.int32, (8, _BL), 0)
    geom8 = row8 < 3
    m8 = m_ref[...]
    for ref, g_ref, b_ref, o_ref in ((e_ref, eg_ref, eb_ref, eo_ref),
                                     (t_ref, tg_ref, tb_ref, to_ref)):
        x = ref[...]
        s1 = jnp.dot(m8, x, preferred_element_type=jnp.float32)
        s2 = jnp.dot(m8, x * x, preferred_element_type=jnp.float32)
        mu = s1 * (1.0 / 13.0)
        var = s2 * (1.0 / 13.0) - mu * mu
        rstd = jax.lax.rsqrt(var + _EPS)
        g = g_ref[...]
        b = b_ref[...]
        p_lo = rstd * g[0:8, :]
        p_hi = rstd * g[8:16, :]
        q_lo = b[0:8, :] - mu * p_lo
        q_hi = b[8:16, :] - mu * p_hi
        xlo = x[0:8, :]
        xhi = x[8:16, :]
        o_ref[0:8, :] = jnp.where(geom8, xlo, xlo * p_lo + q_lo)
        o_ref[8:16, :] = xhi * p_hi + q_hi


def _sc_rsqrt(v):
    iv = lax.bitcast_convert_type(v, jnp.int32)
    y = lax.bitcast_convert_type(jnp.int32(0x5F3759DF) - (iv >> 1), jnp.float32)
    for _ in range(3):
        y = y * (1.5 - 0.5 * v * y * y)
    return y


def _sc_node_body(n_ref, g_ref, b_ref, o_ref, xbuf, obuf, gbuf, bbuf):
    wid = lax.axis_index("s") * 2 + lax.axis_index("c")
    pltpu.sync_copy(g_ref, gbuf)
    pltpu.sync_copy(b_ref, bbuf)

    def chunk_body(j, carry):
        cid = wid + j * _NW

        @pl.when(cid < _NCHUNKS)
        def _():
            r0 = _TC_ROWS + cid * _CROWS
            pltpu.sync_copy(n_ref.at[pl.ds(r0, _CROWS), :], xbuf)

            def row(k, c2):
                xs = [xbuf[k, pl.ds(l * 16, 16)] for l in range(8)]
                s1v = xs[0]
                for l in range(1, 8):
                    s1v = s1v + xs[l]
                s2v = xs[0] * xs[0]
                for l in range(1, 8):
                    s2v = s2v + xs[l] * xs[l]
                s1 = jnp.sum(s1v)
                s2 = jnp.sum(s2v)
                muv = jnp.full((16,), s1) * (1.0 / 128.0)
                s2m = jnp.full((16,), s2) * (1.0 / 128.0)
                var = s2m - muv * muv
                rstd = _sc_rsqrt(var + _EPS)
                for l in range(8):
                    obuf[k, pl.ds(l * 16, 16)] = ((xs[l] - muv) * rstd
                                                  * gbuf[l, :] + bbuf[l, :])
                return c2

            lax.fori_loop(0, _CROWS, row, 0)
            pltpu.sync_copy(obuf, o_ref.at[pl.ds(cid * _CROWS, _CROWS), :])

        return carry

    lax.fori_loop(0, _JMAX, chunk_body, 0)


def _col16(vec13):
    return jnp.concatenate([jnp.zeros((3,), vec13.dtype), vec13])[:, None]


def kernel(node_features, edge_features, triangle_features,
           node_gamma, node_beta, edge_gamma, edge_beta, tri_gamma, tri_beta):
    e_t = edge_features.T
    t_t = triangle_features.T
    m8 = (jnp.arange(16)[None, :] >= 3).astype(jnp.float32) * jnp.ones((8, 1), jnp.float32)

    mesh = plsc.VectorSubcoreMesh(core_axis_name="c", subcore_axis_name="s")
    node_sc = pl.kernel(
        _sc_node_body,
        out_type=jax.ShapeDtypeStruct((_SC_ROWS, 128), jnp.float32),
        mesh=mesh,
        scratch_types=[
            pltpu.VMEM((_CROWS, 128), jnp.float32),
            pltpu.VMEM((_CROWS, 128), jnp.float32),
            pltpu.VMEM((8, 16), jnp.float32),
            pltpu.VMEM((8, 16), jnp.float32),
        ],
        compiler_params=pltpu.CompilerParams(use_tc_tiling_on_sc=True, needs_layout_passes=False),
    )(node_features,
      node_gamma.reshape(8, 16),
      node_beta.reshape(8, 16))

    node_tc, e_out, t_out = pl.pallas_call(
        _tc_body,
        grid=(_GRID,),
        in_specs=[
            pl.BlockSpec((_NBLK, 128), lambda i: (i, 0)),
            pl.BlockSpec((16, _BL), lambda i: (0, i)),
            pl.BlockSpec((16, _BL), lambda i: (0, i)),
            pl.BlockSpec((1, 128), lambda i: (0, 0)),
            pl.BlockSpec((1, 128), lambda i: (0, 0)),
            pl.BlockSpec((8, 16), lambda i: (0, 0)),
            pl.BlockSpec((16, 1), lambda i: (0, 0)),
            pl.BlockSpec((16, 1), lambda i: (0, 0)),
            pl.BlockSpec((16, 1), lambda i: (0, 0)),
            pl.BlockSpec((16, 1), lambda i: (0, 0)),
        ],
        out_specs=[
            pl.BlockSpec((_NBLK, 128), lambda i: (i, 0)),
            pl.BlockSpec((16, _BL), lambda i: (0, i)),
            pl.BlockSpec((16, _BL), lambda i: (0, i)),
        ],
        out_shape=[
            jax.ShapeDtypeStruct((_TC_ROWS, 128), jnp.float32),
            jax.ShapeDtypeStruct((16, _EDGE_ROWS), jnp.float32),
            jax.ShapeDtypeStruct((16, _EDGE_ROWS), jnp.float32),
        ],
        compiler_params=pltpu.CompilerParams(
            dimension_semantics=("arbitrary",)),
    )(node_features, e_t, t_t,
      node_gamma[None, :], node_beta[None, :], m8,
      _col16(edge_gamma), _col16(edge_beta),
      _col16(tri_gamma), _col16(tri_beta))

    return (jnp.concatenate([node_tc, node_sc], axis=0), e_out.T, t_out.T)

# --- scband reference (transcript-rebuilt; emitter-appended) ---
"""Pipeline reference for scband-simplex-message-passing-39109972197647 (READ-ONLY COPY).

The authoritative reference and input builder live on the scoring server;
editing this copy changes nothing except your own understanding.
"""

import jax, jax.numpy as jnp
import numpy as np


def _layer_norm(x, gamma, beta, eps=1e-5):
    mu = jnp.mean(x, axis=-1, keepdims=True)
    var = jnp.var(x, axis=-1, keepdims=True)
    return (x - mu) / jnp.sqrt(var + eps) * gamma + beta


def setup_inputs(seed: int = 0) -> dict:
    key = jax.random.key(seed)
    k1, k2, k3 = jax.random.split(key, 3)
    node_features = jax.random.normal(k1, (10000, 128), dtype=jnp.float32)
    edge_features = jax.random.normal(k2, (320000, 16), dtype=jnp.float32)
    triangle_features = jax.random.normal(k3, (320000, 16), dtype=jnp.float32)
    # LayerNorm parameters per __init__: node_norm=LayerNorm(node_dim=128),
    # edge_norm=LayerNorm(edge_dim-3=13), triangle_norm=LayerNorm(triangle_dim-3=13)
    node_gamma = jnp.ones((128,), dtype=jnp.float32)
    node_beta = jnp.zeros((128,), dtype=jnp.float32)
    edge_gamma = jnp.ones((13,), dtype=jnp.float32)
    edge_beta = jnp.zeros((13,), dtype=jnp.float32)
    tri_gamma = jnp.ones((13,), dtype=jnp.float32)
    tri_beta = jnp.zeros((13,), dtype=jnp.float32)
    return {
        "node_features": node_features,
        "edge_features": edge_features,
        "triangle_features": triangle_features,
        "node_gamma": node_gamma,
        "node_beta": node_beta,
        "edge_gamma": edge_gamma,
        "edge_beta": edge_beta,
        "tri_gamma": tri_gamma,
        "tri_beta": tri_beta,
    }


def reference(node_features, edge_features, triangle_features,
              node_gamma, node_beta, edge_gamma, edge_beta, tri_gamma, tri_beta):
    # Base-class behavior: apply the per-simplex normalizations declared in __init__.
    # Node features (0-simplices): full LayerNorm over node_dim.
    node_out = _layer_norm(node_features, node_gamma, node_beta)
    # Edge features (1-simplices): first 3 dims are geometric (untouched),
    # LayerNorm over the remaining edge_dim-3 feature dims.
    edge_geom = edge_features[:, :3]
    edge_feat = _layer_norm(edge_features[:, 3:], edge_gamma, edge_beta)
    edge_out = jnp.concatenate([edge_geom, edge_feat], axis=-1)
    # Triangle features (2-simplices): same split.
    tri_geom = triangle_features[:, :3]
    tri_feat = _layer_norm(triangle_features[:, 3:], tri_gamma, tri_beta)
    tri_out = jnp.concatenate([tri_geom, tri_feat], axis=-1)
    return (node_out, edge_out, tri_out)

if __name__ == "__main__":
    import jax
    _d = setup_inputs()
    print(jax.jit(kernel)(*tuple(_d.values())))

</pallas_src>

<mosaic_0001>
#map = affine_map<(d0, d1) -> (0, 0)>
module attributes {stable_mosaic.version = 14 : i64} {
  func.func @_sc_node_body(%arg0: i32, %arg1: i32, %arg2: memref<10000x128xf32, #tpu.memory_space<hbm>>, %arg3: memref<8x16xf32, #tpu.memory_space<hbm>>, %arg4: memref<8x16xf32, #tpu.memory_space<hbm>>, %arg5: memref<2000x128xf32, #tpu.memory_space<hbm>>, %arg6: memref<40x128xf32, #tpu.memory_space<vmem>>, %arg7: memref<40x128xf32, #tpu.memory_space<vmem>>, %arg8: memref<8x16xf32, #tpu.memory_space<vmem>>, %arg9: memref<8x16xf32, #tpu.memory_space<vmem>>) attributes {dimension_semantics = [#tpu.dimension_semantics<core_parallel>, #tpu.dimension_semantics<subcore_parallel>], iteration_bounds = array<i64: 2, 16>, scalar_prefetch = 0 : i64, scratch_operands = 4 : i64, tpu.core_type = #tpu.core_type<sc_vector_subcore>, window_params = [{transform_indices = #map}, {transform_indices = #map}, {transform_indices = #map}, {transform_indices = #map}]} {
    %mul3A = arith.constant 2 : i32
    %mul3A_0 = arith.muli %arg1, %mul3A : i32
    %add3A = arith.addi %mul3A_0, %arg0 : i32
    "tpu.region"() ({
      %run_scoped3A = tpu.sem_alloc : memref<!tpu.dma_semaphore, #tpu.memory_space<semaphore_mem>>
      tpu.enqueue_dma source(%arg3 : memref<8x16xf32, #tpu.memory_space<hbm>>) target(%arg8 : memref<8x16xf32, #tpu.memory_space<vmem>>) target_semaphore(%run_scoped3A : memref<!tpu.dma_semaphore, #tpu.memory_space<semaphore_mem>>)
      tpu.wait_dma2 semaphore(%run_scoped3A : memref<!tpu.dma_semaphore, #tpu.memory_space<semaphore_mem>>) src(%arg3 : memref<8x16xf32, #tpu.memory_space<hbm>>) dst(%arg8 : memref<8x16xf32, #tpu.memory_space<vmem>>)
      tpu.yield
    }) : () -> ()
    "tpu.region"() ({
      %run_scoped3A = tpu.sem_alloc : memref<!tpu.dma_semaphore, #tpu.memory_space<semaphore_mem>>
      tpu.enqueue_dma source(%arg4 : memref<8x16xf32, #tpu.memory_space<hbm>>) target(%arg9 : memref<8x16xf32, #tpu.memory_space<vmem>>) target_semaphore(%run_scoped3A : memref<!tpu.dma_semaphore, #tpu.memory_space<semaphore_mem>>)
      tpu.wait_dma2 semaphore(%run_scoped3A : memref<!tpu.dma_semaphore, #tpu.memory_space<semaphore_mem>>) src(%arg4 : memref<8x16xf32, #tpu.memory_space<hbm>>) dst(%arg9 : memref<8x16xf32, #tpu.memory_space<vmem>>)
      tpu.yield
    }) : () -> ()
    %scan3A = arith.constant 0 : i32
    %scan3A_1 = arith.constant 0 : i32
    %scan3A_2 = arith.constant 2 : i32
    %scan3A_3 = arith.addi %scan3A_1, %scan3A_2 : i32
    %scan3A_4 = arith.constant 1 : i32
    scf.for %scan3A_6 = %scan3A_1 to %scan3A_3 step %scan3A_4  : i32 {
      %mul3A_7 = arith.constant 32 : i32
      %mul3A_8 = arith.muli %scan3A_6, %mul3A_7 : i32
      %add3A_9 = arith.addi %add3A, %mul3A_8 : i32
      %lt3A = arith.constant 50 : i32
      %lt3A_10 = arith.cmpi slt, %add3A_9, %lt3A : i32
      %convert_element_type3A = arith.extui %lt3A_10 : i1 to i32
      %cond3A = arith.constant 0 : i32
      %cond3A_11 = arith.cmpi ne, %convert_element_type3A, %cond3A : i32
      scf.if %cond3A_11 {
        %mul3A_12 = arith.constant 40 : i32
        %mul3A_13 = arith.muli %add3A_9, %mul3A_12 : i32
        %add3A_14 = arith.constant 8000 : i32
        %add3A_15 = arith.addi %add3A_14, %mul3A_13 : i32
        "tpu.region"() ({
          %run_scoped3A = tpu.sem_alloc : memref<!tpu.dma_semaphore, #tpu.memory_space<semaphore_mem>>
          %dma_start3A = arith.constant 0 : i32
          %dma_start3A_24 = tpu.memref_slice %arg2[%add3A_15, %dma_start3A] : memref<10000x128xf32, #tpu.memory_space<hbm>> -> memref<40x128xf32, #tpu.memory_space<hbm>>
          %dma_start3A_25 = arith.constant 0 : i32
          %dma_start3A_26 = tpu.memref_slice %arg2[%add3A_15, %dma_start3A_25] : memref<10000x128xf32, #tpu.memory_space<hbm>> -> memref<40x128xf32, #tpu.memory_space<hbm>>
          tpu.enqueue_dma source(%dma_start3A_26 : memref<40x128xf32, #tpu.memory_space<hbm>>) target(%arg6 : memref<40x128xf32, #tpu.memory_space<vmem>>) target_semaphore(%run_scoped3A : memref<!tpu.dma_semaphore, #tpu.memory_space<semaphore_mem>>)
          %dma_wait3A = arith.constant 0 : i32
          %dma_wait3A_27 = tpu.memref_slice %arg2[%add3A_15, %dma_wait3A] : memref<10000x128xf32, #tpu.memory_space<hbm>> -> memref<40x128xf32, #tpu.memory_space<hbm>>
          %dma_wait3A_28 = arith.constant 0 : i32
          %dma_wait3A_29 = tpu.memref_slice %arg2[%add3A_15, %dma_wait3A_28] : memref<10000x128xf32, #tpu.memory_space<hbm>> -> memref<40x128xf32, #tpu.memory_space<hbm>>
          tpu.wait_dma2 semaphore(%run_scoped3A : memref<!tpu.dma_semaphore, #tpu.memory_space<semaphore_mem>>) src(%dma_wait3A_29 : memref<40x128xf32, #tpu.memory_space<hbm>>) dst(%arg6 : memref<40x128xf32, #tpu.memory_space<vmem>>)
          tpu.yield
        }) : () -> ()
        %scan3A_16 = arith.constant 0 : i32
        %scan3A_17 = arith.constant 0 : i32
        %scan3A_18 = arith.constant 40 : i32
        %scan3A_19 = arith.addi %scan3A_17, %scan3A_18 : i32
        %scan3A_20 = arith.constant 1 : i32
        scf.for %scan3A_24 = %scan3A_17 to %scan3A_19 step %scan3A_20  : i32 {
          %get3A = arith.index_cast %scan3A_24 : i32 to index
          %get3A_25 = arith.constant 0 : index
          %get3A_26 = tpu.vector_load %arg6[%get3A, %get3A_25] {strides = array<i32>} : memref<40x128xf32, #tpu.memory_space<vmem>>, vector<16xf32>,
          %get3A_27 = arith.index_cast %scan3A_24 : i32 to index
          %get3A_28 = arith.constant 16 : index
          %get3A_29 = tpu.vector_load %arg6[%get3A_27, %get3A_28] {strides = array<i32>} : memref<40x128xf32, #tpu.memory_space<vmem>>, vector<16xf32>,
          %get3A_30 = arith.index_cast %scan3A_24 : i32 to index
          %get3A_31 = arith.constant 32 : index
          %get3A_32 = tpu.vector_load %arg6[%get3A_30, %get3A_31] {strides = array<i32>} : memref<40x128xf32, #tpu.memory_space<vmem>>, vector<16xf32>,
          %get3A_33 = arith.index_cast %scan3A_24 : i32 to index
          %get3A_34 = arith.constant 48 : index
          %get3A_35 = tpu.vector_load %arg6[%get3A_33, %get3A_34] {strides = array<i32>} : memref<40x128xf32, #tpu.memory_space<vmem>>, vector<16xf32>,
          %get3A_36 = arith.index_cast %scan3A_24 : i32 to index
          %get3A_37 = arith.constant 64 : index
          %get3A_38 = tpu.vector_load %arg6[%get3A_36, %get3A_37] {strides = array<i32>} : memref<40x128xf32, #tpu.memory_space<vmem>>, vector<16xf32>,
          %get3A_39 = arith.index_cast %scan3A_24 : i32 to index
          %get3A_40 = arith.constant 80 : index
          %get3A_41 = tpu.vector_load %arg6[%get3A_39, %get3A_40] {strides = array<i32>} : memref<40x128xf32, #tpu.memory_space<vmem>>, vector<16xf32>,
          %get3A_42 = arith.index_cast %scan3A_24 : i32 to index
          %get3A_43 = arith.constant 96 : index
          %get3A_44 = tpu.vector_load %arg6[%get3A_42, %get3A_43] {strides = array<i32>} : memref<40x128xf32, #tpu.memory_space<vmem>>, vector<16xf32>,
          %get3A_45 = arith.index_cast %scan3A_24 : i32 to index
          %get3A_46 = arith.constant 112 : index
          %get3A_47 = tpu.vector_load %arg6[%get3A_45, %get3A_46] {strides = array<i32>} : memref<40x128xf32, #tpu.memory_space<vmem>>, vector<16xf32>,
          %add3A_48 = arith.addf %get3A_26, %get3A_29 : vector<16xf32>
          %add3A_49 = arith.addf %add3A_48, %get3A_32 : vector<16xf32>
          %add3A_50 = arith.addf %add3A_49, %get3A_35 : vector<16xf32>
          %add3A_51 = arith.addf %add3A_50, %get3A_38 : vector<16xf32>
          %add3A_52 = arith.addf %add3A_51, %get3A_41 : vector<16xf32>
          %add3A_53 = arith.addf %add3A_52, %get3A_44 : vector<16xf32>
          %add3A_54 = arith.addf %add3A_53, %get3A_47 : vector<16xf32>
          %mul3A_55 = arith.mulf %get3A_26, %get3A_26 : vector<16xf32>
          %mul3A_56 = arith.mulf %get3A_29, %get3A_29 : vector<16xf32>
          %add3A_57 = arith.addf %mul3A_55, %mul3A_56 : vector<16xf32>
          %mul3A_58 = arith.mulf %get3A_32, %get3A_32 : vector<16xf32>
          %add3A_59 = arith.addf %add3A_57, %mul3A_58 : vector<16xf32>
          %mul3A_60 = arith.mulf %get3A_35, %get3A_35 : vector<16xf32>
          %add3A_61 = arith.addf %add3A_59, %mul3A_60 : vector<16xf32>
          %mul3A_62 = arith.mulf %get3A_38, %get3A_38 : vector<16xf32>
          %add3A_63 = arith.addf %add3A_61, %mul3A_62 : vector<16xf32>
          %mul3A_64 = arith.mulf %get3A_41, %get3A_41 : vector<16xf32>
          %add3A_65 = arith.addf %add3A_63, %mul3A_64 : vector<16xf32>
          %mul3A_66 = arith.mulf %get3A_44, %get3A_44 : vector<16xf32>
          %add3A_67 = arith.addf %add3A_65, %mul3A_66 : vector<16xf32>
          %mul3A_68 = arith.mulf %get3A_47, %get3A_47 : vector<16xf32>
          %add3A_69 = arith.addf %add3A_67, %mul3A_68 : vector<16xf32>
          %reduce_sum3A = arith.constant true
          %reduce_sum3A_70 = vector.broadcast %reduce_sum3A : i1 to vector<16xi1>
          %reduce_sum3A_71 = tpu.scan <sum>, %add3A_54 masked %reduce_sum3A_70 : vector<16xf32>, vector<16xi1> -> vector<16xf32>
          %reduce_sum3A_72 = vector.extract %reduce_sum3A_71[15] : f32 from vector<16xf32>
          %reduce_sum3A_73 = arith.constant true
          %reduce_sum3A_74 = vector.broadcast %reduce_sum3A_73 : i1 to vector<16xi1>
          %reduce_sum3A_75 = tpu.scan <sum>, %add3A_69 masked %reduce_sum3A_74 : vector<16xf32>, vector<16xi1> -> vector<16xf32>
          %reduce_sum3A_76 = vector.extract %reduce_sum3A_75[15] : f32 from vector<16xf32>
          %broadcast_in_dim3A = vector.broadcast %reduce_sum3A_72 : f32 to vector<16xf32>
          %mul3A_77 = arith.constant 7.812500e-03 : f32
          %mul3A_78 = vector.broadcast %mul3A_77 : f32 to vector<16xf32>
          %mul3A_79 = arith.mulf %broadcast_in_dim3A, %mul3A_78 : vector<16xf32>
          %broadcast_in_dim3A_80 = vector.broadcast %reduce_sum3A_76 : f32 to vector<16xf32>
          %mul3A_81 = arith.constant 7.812500e-03 : f32
          %mul3A_82 = vector.broadcast %mul3A_81 : f32 to vector<16xf32>
          %mul3A_83 = arith.mulf %broadcast_in_dim3A_80, %mul3A_82 : vector<16xf32>
          %mul3A_84 = arith.mulf %mul3A_79, %mul3A_79 : vector<16xf32>
          %sub3A = arith.subf %mul3A_83, %mul3A_84 : vector<16xf32>
          %add3A_85 = arith.constant 9.99999974E-6 : f32
          %add3A_86 = vector.broadcast %add3A_85 : f32 to vector<16xf32>
          %add3A_87 = arith.addf %sub3A, %add3A_86 : vector<16xf32>
          %bitcast_convert_type3A = tpu.bitcast %add3A_87 : vector<16xf32> -> vector<16xi32>
          %shift_right_arithmetic3A = arith.constant 1 : i32
          %shift_right_arithmetic3A_88 = vector.broadcast %shift_right_arithmetic3A : i32 to vector<16xi32>
          %shift_right_arithmetic3A_89 = arith.shrsi %bitcast_convert_type3A, %shift_right_arithmetic3A_88 : vector<16xi32>
          %sub3A_90 = arith.constant 1597463007 : i32
          %sub3A_91 = vector.broadcast %sub3A_90 : i32 to vector<16xi32>
          %sub3A_92 = arith.subi %sub3A_91, %shift_right_arithmetic3A_89 : vector<16xi32>
          %bitcast_convert_type3A_93 = tpu.bitcast %sub3A_92 : vector<16xi32> -> vector<16xf32>
          %mul3A_94 = arith.constant 5.000000e-01 : f32
          %mul3A_95 = vector.broadcast %mul3A_94 : f32 to vector<16xf32>
          %mul3A_96 = arith.mulf %mul3A_95, %add3A_87 : vector<16xf32>
          %mul3A_97 = arith.mulf %mul3A_96, %bitcast_convert_type3A_93 : vector<16xf32>
          %mul3A_98 = arith.mulf %mul3A_97, %bitcast_convert_type3A_93 : vector<16xf32>
          %sub3A_99 = arith.constant 1.500000e+00 : f32
          %sub3A_100 = vector.broadcast %sub3A_99 : f32 to vector<16xf32>
          %sub3A_101 = arith.subf %sub3A_100, %mul3A_98 : vector<16xf32>
          %mul3A_102 = arith.mulf %bitcast_convert_type3A_93, %sub3A_101 : vector<16xf32>
          %mul3A_103 = arith.constant 5.000000e-01 : f32
          %mul3A_104 = vector.broadcast %mul3A_103 : f32 to vector<16xf32>
          %mul3A_105 = arith.mulf %mul3A_104, %add3A_87 : vector<16xf32>
          %mul3A_106 = arith.mulf %mul3A_105, %mul3A_102 : vector<16xf32>
          %mul3A_107 = arith.mulf %mul3A_106, %mul3A_102 : vector<16xf32>
          %sub3A_108 = arith.constant 1.500000e+00 : f32
          %sub3A_109 = vector.broadcast %sub3A_108 : f32 to vector<16xf32>
          %sub3A_110 = arith.subf %sub3A_109, %mul3A_107 : vector<16xf32>
          %mul3A_111 = arith.mulf %mul3A_102, %sub3A_110 : vector<16xf32>
          %mul3A_112 = arith.constant 5.000000e-01 : f32
          %mul3A_113 = vector.broadcast %mul3A_112 : f32 to vector<16xf32>
          %mul3A_114 = arith.mulf %mul3A_113, %add3A_87 : vector<16xf32>
          %mul3A_115 = arith.mulf %mul3A_114, %mul3A_111 : vector<16xf32>
          %mul3A_116 = arith.mulf %mul3A_115, %mul3A_111 : vector<16xf32>
          %sub3A_117 = arith.constant 1.500000e+00 : f32
          %sub3A_118 = vector.broadcast %sub3A_117 : f32 to vector<16xf32>
          %sub3A_119 = arith.subf %sub3A_118, %mul3A_116 : vector<16xf32>
          %mul3A_120 = arith.mulf %mul3A_111, %sub3A_119 : vector<16xf32>
          %sub3A_121 = arith.subf %get3A_26, %mul3A_79 : vector<16xf32>
          %mul3A_122 = arith.mulf %sub3A_121, %mul3A_120 : vector<16xf32>
          %get3A_123 = arith.constant 0 : i32
          %get3A_124 = arith.index_cast %get3A_123 : i32 to index
          %get3A_125 = arith.constant 0 : index
          %get3A_126 = tpu.vector_load %arg8[%get3A_124, %get3A_125] {strides = array<i32>} : memref<8x16xf32, #tpu.memory_space<vmem>>, vector<16xf32>,
          %mul3A_127 = arith.mulf %mul3A_122, %get3A_126 : vector<16xf32>
          %get3A_128 = arith.constant 0 : i32
          %get3A_129 = arith.index_cast %get3A_128 : i32 to index
          %get3A_130 = arith.constant 0 : index
          %get3A_131 = tpu.vector_load %arg9[%get3A_129, %get3A_130] {strides = array<i32>} : memref<8x16xf32, #tpu.memory_space<vmem>>, vector<16xf32>,
          %add3A_132 = arith.addf %mul3A_127, %get3A_131 : vector<16xf32>
          %swap3A = arith.index_cast %scan3A_24 : i32 to index
          %swap3A_133 = arith.constant 0 : index
          %swap3A_134 = tpu.vector_load %arg7[%swap3A, %swap3A_133] {strides = array<i32>} : memref<40x128xf32, #tpu.memory_space<vmem>>, vector<16xf32>,
          tpu.vector_store %arg7[%swap3A, %swap3A_133], %add3A_132 {strides = array<i32>} : memref<40x128xf32, #tpu.memory_space<vmem>>, vector<16xf32>,
          %sub3A_135 = arith.subf %get3A_29, %mul3A_79 : vector<16xf32>
          %mul3A_136 = arith.mulf %sub3A_135, %mul3A_120 : vector<16xf32>
          %get3A_137 = arith.constant 1 : i32
          %get3A_138 = arith.index_cast %get3A_137 : i32 to index
          %get3A_139 = arith.constant 0 : index
          %get3A_140 = tpu.vector_load %arg8[%get3A_138, %get3A_139] {strides = array<i32>} : memref<8x16xf32, #tpu.memory_space<vmem>>, vector<16xf32>,
          %mul3A_141 = arith.mulf %mul3A_136, %get3A_140 : vector<16xf32>
          %get3A_142 = arith.constant 1 : i32
          %get3A_143 = arith.index_cast %get3A_142 : i32 to index
          %get3A_144 = arith.constant 0 : index
          %get3A_145 = tpu.vector_load %arg9[%get3A_143, %get3A_144] {strides = array<i32>} : memref<8x16xf32, #tpu.memory_space<vmem>>, vector<16xf32>,
          %add3A_146 = arith.addf %mul3A_141, %get3A_145 : vector<16xf32>
          %swap3A_147 = arith.index_cast %scan3A_24 : i32 to index
          %swap3A_148 = arith.constant 16 : index
          %swap3A_149 = tpu.vector_load %arg7[%swap3A_147, %swap3A_148] {strides = array<i32>} : memref<40x128xf32, #tpu.memory_space<vmem>>, vector<16xf32>,
          tpu.vector_store %arg7[%swap3A_147, %swap3A_148], %add3A_146 {strides = array<i32>} : memref<40x128xf32, #tpu.memory_space<vmem>>, vector<16xf32>,
          %sub3A_150 = arith.subf %get3A_32, %mul3A_79 : vector<16xf32>
          %mul3A_151 = arith.mulf %sub3A_150, %mul3A_120 : vector<16xf32>
          %get3A_152 = arith.constant 2 : i32
          %get3A_153 = arith.index_cast %get3A_152 : i32 to index
          %get3A_154 = arith.constant 0 : index
          %get3A_155 = tpu.vector_load %arg8[%get3A_153, %get3A_154] {strides = array<i32>} : memref<8x16xf32, #tpu.memory_space<vmem>>, vector<16xf32>,
          %mul3A_156 = arith.mulf %mul3A_151, %get3A_155 : vector<16xf32>
          %get3A_157 = arith.constant 2 : i32
          %get3A_158 = arith.index_cast %get3A_157 : i32 to index
          %get3A_159 = arith.constant 0 : index
          %get3A_160 = tpu.vector_load %arg9[%get3A_158, %get3A_159] {strides = array<i32>} : memref<8x16xf32, #tpu.memory_space<vmem>>, vector<16xf32>,
          %add3A_161 = arith.addf %mul3A_156, %get3A_160 : vector<16xf32>
          %swap3A_162 = arith.index_cast %scan3A_24 : i32 to index
          %swap3A_163 = arith.constant 32 : index
          %swap3A_164 = tpu.vector_load %arg7[%swap3A_162, %swap3A_163] {strides = array<i32>} : memref<40x128xf32, #tpu.memory_space<vmem>>, vector<16xf32>,
          tpu.vector_store %arg7[%swap3A_162, %swap3A_163], %add3A_161 {strides = array<i32>} : memref<40x128xf32, #tpu.memory_space<vmem>>, vector<16xf32>,
          %sub3A_165 = arith.subf %get3A_35, %mul3A_79 : vector<16xf32>
          %mul3A_166 = arith.mulf %sub3A_165, %mul3A_120 : vector<16xf32>
          %get3A_167 = arith.constant 3 : i32
          %get3A_168 = arith.index_cast %get3A_167 : i32 to index
          %get3A_169 = arith.constant 0 : index
          %get3A_170 = tpu.vector_load %arg8[%get3A_168, %get3A_169] {strides = array<i32>} : memref<8x16xf32, #tpu.memory_space<vmem>>, vector<16xf32>,
          %mul3A_171 = arith.mulf %mul3A_166, %get3A_170 : vector<16xf32>
          %get3A_172 = arith.constant 3 : i32
          %get3A_173 = arith.index_cast %get3A_172 : i32 to index
          %get3A_174 = arith.constant 0 : index
          %get3A_175 = tpu.vector_load %arg9[%get3A_173, %get3A_174] {strides = array<i32>} : memref<8x16xf32, #tpu.memory_space<vmem>>, vector<16xf32>,
          %add3A_176 = arith.addf %mul3A_171, %get3A_175 : vector<16xf32>
          %swap3A_177 = arith.index_cast %scan3A_24 : i32 to index
          %swap3A_178 = arith.constant 48 : index
          %swap3A_179 = tpu.vector_load %arg7[%swap3A_177, %swap3A_178] {strides = array<i32>} : memref<40x128xf32, #tpu.memory_space<vmem>>, vector<16xf32>,
          tpu.vector_store %arg7[%swap3A_177, %swap3A_178], %add3A_176 {strides = array<i32>} : memref<40x128xf32, #tpu.memory_space<vmem>>, vector<16xf32>,
          %sub3A_180 = arith.subf %get3A_38, %mul3A_79 : vector<16xf32>
          %mul3A_181 = arith.mulf %sub3A_180, %mul3A_120 : vector<16xf32>
          %get3A_182 = arith.constant 4 : i32
          %get3A_183 = arith.index_cast %get3A_182 : i32 to index
          %get3A_184 = arith.constant 0 : index
          %get3A_185 = tpu.vector_load %arg8[%get3A_183, %get3A_184] {strides = array<i32>} : memref<8x16xf32, #tpu.memory_space<vmem>>, vector<16xf32>,
          %mul3A_186 = arith.mulf %mul3A_181, %get3A_185 : vector<16xf32>
          %get3A_187 = arith.constant 4 : i32
          %get3A_188 = arith.index_cast %get3A_187 : i32 to index
          %get3A_189 = arith.constant 0 : index
          %get3A_190 = tpu.vector_load %arg9[%get3A_188, %get3A_189] {strides = array<i32>} : memref<8x16xf32, #tpu.memory_space<vmem>>, vector<16xf32>,
          %add3A_191 = arith.addf %mul3A_186, %get3A_190 : vector<16xf32>
          %swap3A_192 = arith.index_cast %scan3A_24 : i32 to index
          %swap3A_193 = arith.constant 64 : index
          %swap3A_194 = tpu.vector_load %arg7[%swap3A_192, %swap3A_193] {strides = array<i32>} : memref<40x128xf32, #tpu.memory_space<vmem>>, vector<16xf32>,
          tpu.vector_store %arg7[%swap3A_192, %swap3A_193], %add3A_191 {strides = array<i32>} : memref<40x128xf32, #tpu.memory_space<vmem>>, vector<16xf32>,
          %sub3A_195 = arith.subf %get3A_41, %mul3A_79 : vector<16xf32>
          %mul3A_196 = arith.mulf %sub3A_195, %mul3A_120 : vector<16xf32>
          %get3A_197 = arith.constant 5 : i32
          %get3A_198 = arith.index_cast %get3A_197 : i32 to index
          %get3A_199 = arith.constant 0 : index
          %get3A_200 = tpu.vector_load %arg8[%get3A_198, %get3A_199] {strides = array<i32>} : memref<8x16xf32, #tpu.memory_space<vmem>>, vector<16xf32>,
          %mul3A_201 = arith.mulf %mul3A_196, %get3A_200 : vector<16xf32>
          %get3A_202 = arith.constant 5 : i32
          %get3A_203 = arith.index_cast %get3A_202 : i32 to index
          %get3A_204 = arith.constant 0 : index
          %get3A_205 = tpu.vector_load %arg9[%get3A_203, %get3A_204] {strides = array<i32>} : memref<8x16xf32, #tpu.memory_space<vmem>>, vector<16xf32>,
          %add3A_206 = arith.addf %mul3A_201, %get3A_205 : vector<16xf32>
          %swap3A_207 = arith.index_cast %scan3A_24 : i32 to index
          %swap3A_208 = arith.constant 80 : index
          %swap3A_209 = tpu.vector_load %arg7[%swap3A_207, %swap3A_208] {strides = array<i32>} : memref<40x128xf32, #tpu.memory_space<vmem>>, vector<16xf32>,
          tpu.vector_store %arg7[%swap3A_207, %swap3A_208], %add3A_206 {strides = array<i32>} : memref<40x128xf32, #tpu.memory_space<vmem>>, vector<16xf32>,
          %sub3A_210 = arith.subf %get3A_44, %mul3A_79 : vector<16xf32>
          %mul3A_211 = arith.mulf %sub3A_210, %mul3A_120 : vector<16xf32>
          %get3A_212 = arith.constant 6 : i32
          %get3A_213 = arith.index_cast %get3A_212 : i32 to index
          %get3A_214 = arith.constant 0 : index
          %get3A_215 = tpu.vector_load %arg8[%get3A_213, %get3A_214] {strides = array<i32>} : memref<8x16xf32, #tpu.memory_space<vmem>>, vector<16xf32>,
          %mul3A_216 = arith.mulf %mul3A_211, %get3A_215 : vector<16xf32>
          %get3A_217 = arith.constant 6 : i32
          %get3A_218 = arith.index_cast %get3A_217 : i32 to index
          %get3A_219 = arith.constant 0 : index
          %get3A_220 = tpu.vector_load %arg9[%get3A_218, %get3A_219] {strides = array<i32>} : memref<8x16xf32, #tpu.memory_space<vmem>>, vector<16xf32>,
          %add3A_221 = arith.addf %mul3A_216, %get3A_220 : vector<16xf32>
          %swap3A_222 = arith.index_cast %scan3A_24 : i32 to index
          %swap3A_223 = arith.constant 96 : index
          %swap3A_224 = tpu.vector_load %arg7[%swap3A_222, %swap3A_223] {strides = array<i32>} : memref<40x128xf32, #tpu.memory_space<vmem>>, vector<16xf32>,
          tpu.vector_store %arg7[%swap3A_222, %swap3A_223], %add3A_221 {strides = array<i32>} : memref<40x128xf32, #tpu.memory_space<vmem>>, vector<16xf32>,
          %sub3A_225 = arith.subf %get3A_47, %mul3A_79 : vector<16xf32>
          %mul3A_226 = arith.mulf %sub3A_225, %mul3A_120 : vector<16xf32>
          %get3A_227 = arith.constant 7 : i32
          %get3A_228 = arith.index_cast %get3A_227 : i32 to index
          %get3A_229 = arith.constant 0 : index
          %get3A_230 = tpu.vector_load %arg8[%get3A_228, %get3A_229] {strides = array<i32>} : memref<8x16xf32, #tpu.memory_space<vmem>>, vector<16xf32>,
          %mul3A_231 = arith.mulf %mul3A_226, %get3A_230 : vector<16xf32>
          %get3A_232 = arith.constant 7 : i32
          %get3A_233 = arith.index_cast %get3A_232 : i32 to index
          %get3A_234 = arith.constant 0 : index
          %get3A_235 = tpu.vector_load %arg9[%get3A_233, %get3A_234] {strides = array<i32>} : memref<8x16xf32, #tpu.memory_space<vmem>>, vector<16xf32>,
          %add3A_236 = arith.addf %mul3A_231, %get3A_235 : vector<16xf32>
          %swap3A_237 = arith.index_cast %scan3A_24 : i32 to index
          %swap3A_238 = arith.constant 112 : index
          %swap3A_239 = tpu.vector_load %arg7[%swap3A_237, %swap3A_238] {strides = array<i32>} : memref<40x128xf32, #tpu.memory_space<vmem>>, vector<16xf32>,
          tpu.vector_store %arg7[%swap3A_237, %swap3A_238], %add3A_236 {strides = array<i32>} : memref<40x128xf32, #tpu.memory_space<vmem>>, vector<16xf32>,
        }
        %scan3A_21 = arith.constant 40 : i32
        %mul3A_22 = arith.constant 40 : i32
        %mul3A_23 = arith.muli %add3A_9, %mul3A_22 : i32
        "tpu.region"() ({
          %run_scoped3A = tpu.sem_alloc : memref<!tpu.dma_semaphore, #tpu.memory_space<semaphore_mem>>
          %dma_start3A = arith.constant 0 : i32
          %dma_start3A_24 = tpu.memref_slice %arg5[%mul3A_23, %dma_start3A] : memref<2000x128xf32, #tpu.memory_space<hbm>> -> memref<40x128xf32, #tpu.memory_space<hbm>>
          %dma_start3A_25 = arith.constant 0 : i32
          %dma_start3A_26 = tpu.memref_slice %arg5[%mul3A_23, %dma_start3A_25] : memref<2000x128xf32, #tpu.memory_space<hbm>> -> memref<40x128xf32, #tpu.memory_space<hbm>>
          tpu.enqueue_dma source(%arg7 : memref<40x128xf32, #tpu.memory_space<vmem>>) target(%dma_start3A_26 : memref<40x128xf32, #tpu.memory_space<hbm>>) target_semaphore(%run_scoped3A : memref<!tpu.dma_semaphore, #tpu.memory_space<semaphore_mem>>)
          %dma_wait3A = arith.constant 0 : i32
          %dma_wait3A_27 = tpu.memref_slice %arg5[%mul3A_23, %dma_wait3A] : memref<2000x128xf32, #tpu.memory_space<hbm>> -> memref<40x128xf32, #tpu.memory_space<hbm>>
          %dma_wait3A_28 = arith.constant 0 : i32
          %dma_wait3A_29 = tpu.memref_slice %arg5[%mul3A_23, %dma_wait3A_28] : memref<2000x128xf32, #tpu.memory_space<hbm>> -> memref<40x128xf32, #tpu.memory_space<hbm>>
          tpu.wait_dma2 semaphore(%run_scoped3A : memref<!tpu.dma_semaphore, #tpu.memory_space<semaphore_mem>>) src(%arg7 : memref<40x128xf32, #tpu.memory_space<vmem>>) dst(%dma_wait3A_29 : memref<40x128xf32, #tpu.memory_space<hbm>>)
          tpu.yield
        }) : () -> ()
      } else {
      }
    }
    %scan3A_5 = arith.constant 2 : i32
    return
  }
}

module attributes {stable_mosaic.version = 14 : i64} {
  func.func @_tc_body(%arg0: i32, %arg1: memref<800x128xf32, #tpu.memory_space<vmem>>, %arg2: memref<16x32000xf32, #tpu.memory_space<vmem>>, %arg3: memref<16x32000xf32, #tpu.memory_space<vmem>>, %arg4: memref<1x128xf32, #tpu.memory_space<vmem>>, %arg5: memref<1x128xf32, #tpu.memory_space<vmem>>, %arg6: memref<8x16xf32, #tpu.memory_space<vmem>>, %arg7: memref<16x1xf32, #tpu.memory_space<vmem>>, %arg8: memref<16x1xf32, #tpu.memory_space<vmem>>, %arg9: memref<16x1xf32, #tpu.memory_space<vmem>>, %arg10: memref<16x1xf32, #tpu.memory_space<vmem>>, %arg11: memref<800x128xf32, #tpu.memory_space<vmem>>, %arg12: memref<16x32000xf32, #tpu.memory_space<vmem>>, %arg13: memref<16x32000xf32, #tpu.memory_space<vmem>>) attributes {dimension_semantics = [#tpu.dimension_semantics<arbitrary>], iteration_bounds = array<i64: 10>, scalar_prefetch = 0 : i64, scratch_operands = 0 : i64, tpu.core_type = #tpu.core_type<tc>, window_params = [{transform_indices = @transform_0, window_bounds = array<i64: 800, 128>}, {transform_indices = @transform_1, window_bounds = array<i64: 16, 32000>}, {transform_indices = @transform_2, window_bounds = array<i64: 16, 32000>}, {pipeline_mode = #tpu.pipeline_mode<synchronous>, transform_indices = @transform_3, window_bounds = array<i64: 1, 128>}, {pipeline_mode = #tpu.pipeline_mode<synchronous>, transform_indices = @transform_4, window_bounds = array<i64: 1, 128>}, {pipeline_mode = #tpu.pipeline_mode<synchronous>, transform_indices = @transform_5, window_bounds = array<i64: 8, 16>}, {pipeline_mode = #tpu.pipeline_mode<synchronous>, transform_indices = @transform_6, window_bounds = array<i64: 16, 1>}, {pipeline_mode = #tpu.pipeline_mode<synchronous>, transform_indices = @transform_7, window_bounds = array<i64: 16, 1>}, {pipeline_mode = #tpu.pipeline_mode<synchronous>, transform_indices = @transform_8, window_bounds = array<i64: 16, 1>}, {pipeline_mode = #tpu.pipeline_mode<synchronous>, transform_indices = @transform_9, window_bounds = array<i64: 16, 1>}, {transform_indices = @transform_10, window_bounds = array<i64: 800, 128>}, {transform_indices = @transform_11, window_bounds = array<i64: 16, 32000>}, {transform_indices = @transform_12, window_bounds = array<i64: 16, 32000>}]} {
    %get3A = arith.constant 0 : index
    %get3A_0 = arith.constant 0 : index
    %get3A_1 = vector.load %arg1[%get3A, %get3A_0] : memref<800x128xf32, #tpu.memory_space<vmem>>, vector<800x128xf32>
    %reduce_sum3A = arith.constant dense<0.000000e+00> : vector<800xf32>
    %reduce_sum3A_2 = vector.multi_reduction <add>, %get3A_1, %reduce_sum3A [1] : vector<800x128xf32> to vector<800xf32>
    %broadcast_in_dim3A = vector.shape_cast %reduce_sum3A_2 : vector<800xf32> to vector<800x1xf32>
    %div3A = arith.constant 1.280000e+02 : f32
    %div3A_3 = vector.broadcast %div3A : f32 to vector<800x1xf32>
    %div3A_4 = arith.divf %broadcast_in_dim3A, %div3A_3 : vector<800x1xf32>
    %sub3A = vector.broadcast %div3A_4 : vector<800x1xf32> to vector<800x128xf32>
    %sub3A_5 = arith.subf %get3A_1, %sub3A : vector<800x128xf32>
    %mul3A = arith.mulf %sub3A_5, %sub3A_5 : vector<800x128xf32>
    %reduce_sum3A_6 = arith.constant dense<0.000000e+00> : vector<800xf32>
    %reduce_sum3A_7 = vector.multi_reduction <add>, %mul3A, %reduce_sum3A_6 [1] : vector<800x128xf32> to vector<800xf32>
    %broadcast_in_dim3A_8 = vector.shape_cast %reduce_sum3A_7 : vector<800xf32> to vector<800x1xf32>
    %div3A_9 = arith.constant 1.280000e+02 : f32
    %div3A_10 = vector.broadcast %div3A_9 : f32 to vector<800x1xf32>
    %div3A_11 = arith.divf %broadcast_in_dim3A_8, %div3A_10 : vector<800x1xf32>
    %add3A = arith.constant 9.99999974E-6 : f32
    %add3A_12 = vector.broadcast %add3A : f32 to vector<800x1xf32>
    %add3A_13 = arith.addf %div3A_11, %add3A_12 : vector<800x1xf32>
    %rsqrt3A = math.rsqrt %add3A_13 : vector<800x1xf32>
    %mul3A_14 = vector.broadcast %rsqrt3A : vector<800x1xf32> to vector<800x128xf32>
    %mul3A_15 = arith.mulf %sub3A_5, %mul3A_14 : vector<800x128xf32>
    %get3A_16 = arith.constant 0 : index
    %get3A_17 = arith.constant 0 : index
    %get3A_18 = vector.load %arg4[%get3A_16, %get3A_17] : memref<1x128xf32, #tpu.memory_space<vmem>>, vector<1x128xf32>
    %mul3A_19 = vector.broadcast %get3A_18 : vector<1x128xf32> to vector<800x128xf32>
    %mul3A_20 = arith.mulf %mul3A_15, %mul3A_19 : vector<800x128xf32>
    %get3A_21 = arith.constant 0 : index
    %get3A_22 = arith.constant 0 : index
    %get3A_23 = vector.load %arg5[%get3A_21, %get3A_22] : memref<1x128xf32, #tpu.memory_space<vmem>>, vector<1x128xf32>
    %add3A_24 = vector.broadcast %get3A_23 : vector<1x128xf32> to vector<800x128xf32>
    %add3A_25 = arith.addf %mul3A_20, %add3A_24 : vector<800x128xf32>
    %swap3A = arith.constant 0 : index
    %swap3A_26 = arith.constant 0 : index
    %swap3A_27 = vector.load %arg11[%swap3A, %swap3A_26] : memref<800x128xf32, #tpu.memory_space<vmem>>, vector<800x128xf32>
    tpu.vector_store %arg11[%swap3A, %swap3A_26], %add3A_25 {strides = array<i32>} : memref<800x128xf32, #tpu.memory_space<vmem>>, vector<800x128xf32>,
    %iota3A = tpu.iota {dimensions = array<i32: 0>} : vector<8x32000xi32>
    %lt3A = arith.constant 3 : i32
    %lt3A_28 = vector.broadcast %lt3A : i32 to vector<8x32000xi32>
    %lt3A_29 = arith.cmpi slt, %iota3A, %lt3A_28 : vector<8x32000xi32>
    %get3A_30 = arith.constant 0 : index
    %get3A_31 = arith.constant 0 : index
    %get3A_32 = vector.load %arg6[%get3A_30, %get3A_31] : memref<8x16xf32, #tpu.memory_space<vmem>>, vector<8x16xf32>
    %get3A_33 = arith.constant 0 : index
    %get3A_34 = arith.constant 0 : index
    %get3A_35 = vector.load %arg2[%get3A_33, %get3A_34] : memref<16x32000xf32, #tpu.memory_space<vmem>>, vector<16x32000xf32>
    %dot_general3A = arith.constant dense<0.000000e+00> : vector<8x32000xf32>
    %dot_general3A_36 = tpu.matmul %get3A_32, %get3A_35, %dot_general3A {dimension_numbers = #tpu.dot_dimension_numbers<[1], [0], [0], [1], [0, 0, 1, 1], [], []>, transpose_lhs_hint = false} : vector<8x16xf32>, vector<16x32000xf32>, vector<8x32000xf32> -> vector<8x32000xf32>
    %mul3A_37 = arith.mulf %get3A_35, %get3A_35 : vector<16x32000xf32>
    %dot_general3A_38 = arith.constant dense<0.000000e+00> : vector<8x32000xf32>
    %dot_general3A_39 = tpu.matmul %get3A_32, %mul3A_37, %dot_general3A_38 {dimension_numbers = #tpu.dot_dimension_numbers<[1], [0], [0], [1], [0, 0, 1, 1], [], []>, transpose_lhs_hint = false} : vector<8x16xf32>, vector<16x32000xf32>, vector<8x32000xf32> -> vector<8x32000xf32>
    %mul3A_40 = arith.constant 0.0769230798 : f32
    %mul3A_41 = vector.broadcast %mul3A_40 : f32 to vector<8x32000xf32>
    %mul3A_42 = arith.mulf %dot_general3A_36, %mul3A_41 : vector<8x32000xf32>
    %mul3A_43 = arith.constant 0.0769230798 : f32
    %mul3A_44 = vector.broadcast %mul3A_43 : f32 to vector<8x32000xf32>
    %mul3A_45 = arith.mulf %dot_general3A_39, %mul3A_44 : vector<8x32000xf32>
    %mul3A_46 = arith.mulf %mul3A_42, %mul3A_42 : vector<8x32000xf32>
    %sub3A_47 = arith.subf %mul3A_45, %mul3A_46 : vector<8x32000xf32>
    %add3A_48 = arith.constant 9.99999974E-6 : f32
    %add3A_49 = vector.broadcast %add3A_48 : f32 to vector<8x32000xf32>
    %add3A_50 = arith.addf %sub3A_47, %add3A_49 : vector<8x32000xf32>
    %rsqrt3A_51 = math.rsqrt %add3A_50 : vector<8x32000xf32>
    %get3A_52 = arith.constant 0 : index
    %get3A_53 = arith.constant 0 : index
    %get3A_54 = vector.load %arg7[%get3A_52, %get3A_53] : memref<16x1xf32, #tpu.memory_space<vmem>>, vector<16x1xf32>
    %get3A_55 = arith.constant 0 : index
    %get3A_56 = arith.constant 0 : index
    %get3A_57 = vector.load %arg8[%get3A_55, %get3A_56] : memref<16x1xf32, #tpu.memory_space<vmem>>, vector<16x1xf32>
    %slice3A = vector.extract_strided_slice %get3A_54 {offsets = [0, 0], sizes = [8, 1], strides = [1, 1]} : vector<16x1xf32> to vector<8x1xf32>
    %mul3A_58 = vector.broadcast %slice3A : vector<8x1xf32> to vector<8x32000xf32>
    %mul3A_59 = arith.mulf %rsqrt3A_51, %mul3A_58 : vector<8x32000xf32>
    %slice3A_60 = vector.extract_strided_slice %get3A_54 {offsets = [8, 0], sizes = [8, 1], strides = [1, 1]} : vector<16x1xf32> to vector<8x1xf32>
    %mul3A_61 = vector.broadcast %slice3A_60 : vector<8x1xf32> to vector<8x32000xf32>
    %mul3A_62 = arith.mulf %rsqrt3A_51, %mul3A_61 : vector<8x32000xf32>
    %slice3A_63 = vector.extract_strided_slice %get3A_57 {offsets = [0, 0], sizes = [8, 1], strides = [1, 1]} : vector<16x1xf32> to vector<8x1xf32>
    %mul3A_64 = arith.mulf %mul3A_42, %mul3A_59 : vector<8x32000xf32>
    %sub3A_65 = vector.broadcast %slice3A_63 : vector<8x1xf32> to vector<8x32000xf32>
    %sub3A_66 = arith.subf %sub3A_65, %mul3A_64 : vector<8x32000xf32>
    %slice3A_67 = vector.extract_strided_slice %get3A_57 {offsets = [8, 0], sizes = [8, 1], strides = [1, 1]} : vector<16x1xf32> to vector<8x1xf32>
    %mul3A_68 = arith.mulf %mul3A_42, %mul3A_62 : vector<8x32000xf32>
    %sub3A_69 = vector.broadcast %slice3A_67 : vector<8x1xf32> to vector<8x32000xf32>
    %sub3A_70 = arith.subf %sub3A_69, %mul3A_68 : vector<8x32000xf32>
    %slice3A_71 = vector.extract_strided_slice %get3A_35 {offsets = [0, 0], sizes = [8, 32000], strides = [1, 1]} : vector<16x32000xf32> to vector<8x32000xf32>
    %slice3A_72 = vector.extract_strided_slice %get3A_35 {offsets = [8, 0], sizes = [8, 32000], strides = [1, 1]} : vector<16x32000xf32> to vector<8x32000xf32>
    %mul3A_73 = arith.mulf %slice3A_71, %mul3A_59 : vector<8x32000xf32>
    %add3A_74 = arith.addf %mul3A_73, %sub3A_66 : vector<8x32000xf32>
    %select_n3A = arith.select %lt3A_29, %slice3A_71, %add3A_74 : vector<8x32000xi1>, vector<8x32000xf32>
    %swap3A_75 = arith.constant 0 : index
    %swap3A_76 = arith.constant 0 : index
    %swap3A_77 = vector.load %arg12[%swap3A_75, %swap3A_76] : memref<16x32000xf32, #tpu.memory_space<vmem>>, vector<8x32000xf32>
    tpu.vector_store %arg12[%swap3A_75, %swap3A_76], %select_n3A {strides = array<i32>} : memref<16x32000xf32, #tpu.memory_space<vmem>>, vector<8x32000xf32>,
    %mul3A_78 = arith.mulf %slice3A_72, %mul3A_62 : vector<8x32000xf32>
    %add3A_79 = arith.addf %mul3A_78, %sub3A_70 : vector<8x32000xf32>
    %swap3A_80 = arith.constant 8 : index
    %swap3A_81 = arith.constant 0 : index
    %swap3A_82 = vector.load %arg12[%swap3A_80, %swap3A_81] : memref<16x32000xf32, #tpu.memory_space<vmem>>, vector<8x32000xf32>
    tpu.vector_store %arg12[%swap3A_80, %swap3A_81], %add3A_79 {strides = array<i32>} : memref<16x32000xf32, #tpu.memory_space<vmem>>, vector<8x32000xf32>,
    %get3A_83 = arith.constant 0 : index
    %get3A_84 = arith.constant 0 : index
    %get3A_85 = vector.load %arg3[%get3A_83, %get3A_84] : memref<16x32000xf32, #tpu.memory_space<vmem>>, vector<16x32000xf32>
    %dot_general3A_86 = arith.constant dense<0.000000e+00> : vector<8x32000xf32>
    %dot_general3A_87 = tpu.matmul %get3A_32, %get3A_85, %dot_general3A_86 {dimension_numbers = #tpu.dot_dimension_numbers<[1], [0], [0], [1], [0, 0, 1, 1], [], []>, transpose_lhs_hint = false} : vector<8x16xf32>, vector<16x32000xf32>, vector<8x32000xf32> -> vector<8x32000xf32>
    %mul3A_88 = arith.mulf %get3A_85, %get3A_85 : vector<16x32000xf32>
    %dot_general3A_89 = arith.constant dense<0.000000e+00> : vector<8x32000xf32>
    %dot_general3A_90 = tpu.matmul %get3A_32, %mul3A_88, %dot_general3A_89 {dimension_numbers = #tpu.dot_dimension_numbers<[1], [0], [0], [1], [0, 0, 1, 1], [], []>, transpose_lhs_hint = false} : vector<8x16xf32>, vector<16x32000xf32>, vector<8x32000xf32> -> vector<8x32000xf32>
    %mul3A_91 = arith.constant 0.0769230798 : f32
    %mul3A_92 = vector.broadcast %mul3A_91 : f32 to vector<8x32000xf32>
    %mul3A_93 = arith.mulf %dot_general3A_87, %mul3A_92 : vector<8x32000xf32>
    %mul3A_94 = arith.constant 0.0769230798 : f32
    %mul3A_95 = vector.broadcast %mul3A_94 : f32 to vector<8x32000xf32>
    %mul3A_96 = arith.mulf %dot_general3A_90, %mul3A_95 : vector<8x32000xf32>
    %mul3A_97 = arith.mulf %mul3A_93, %mul3A_93 : vector<8x32000xf32>
    %sub3A_98 = arith.subf %mul3A_96, %mul3A_97 : vector<8x32000xf32>
    %add3A_99 = arith.constant 9.99999974E-6 : f32
    %add3A_100 = vector.broadcast %add3A_99 : f32 to vector<8x32000xf32>
    %add3A_101 = arith.addf %sub3A_98, %add3A_100 : vector<8x32000xf32>
    %rsqrt3A_102 = math.rsqrt %add3A_101 : vector<8x32000xf32>
    %get3A_103 = arith.constant 0 : index
    %get3A_104 = arith.constant 0 : index
    %get3A_105 = vector.load %arg9[%get3A_103, %get3A_104] : memref<16x1xf32, #tpu.memory_space<vmem>>, vector<16x1xf32>
    %get3A_106 = arith.constant 0 : index
    %get3A_107 = arith.constant 0 : index
    %get3A_108 = vector.load %arg10[%get3A_106, %get3A_107] : memref<16x1xf32, #tpu.memory_space<vmem>>, vector<16x1xf32>
    %slice3A_109 = vector.extract_strided_slice %get3A_105 {offsets = [0, 0], sizes = [8, 1], strides = [1, 1]} : vector<16x1xf32> to vector<8x1xf32>
    %mul3A_110 = vector.broadcast %slice3A_109 : vector<8x1xf32> to vector<8x32000xf32>
    %mul3A_111 = arith.mulf %rsqrt3A_102, %mul3A_110 : vector<8x32000xf32>
    %slice3A_112 = vector.extract_strided_slice %get3A_105 {offsets = [8, 0], sizes = [8, 1], strides = [1, 1]} : vector<16x1xf32> to vector<8x1xf32>
    %mul3A_113 = vector.broadcast %slice3A_112 : vector<8x1xf32> to vector<8x32000xf32>
    %mul3A_114 = arith.mulf %rsqrt3A_102, %mul3A_113 : vector<8x32000xf32>
    %slice3A_115 = vector.extract_strided_slice %get3A_108 {offsets = [0, 0], sizes = [8, 1], strides = [1, 1]} : vector<16x1xf32> to vector<8x1xf32>
    %mul3A_116 = arith.mulf %mul3A_93, %mul3A_111 : vector<8x32000xf32>
    %sub3A_117 = vector.broadcast %slice3A_115 : vector<8x1xf32> to vector<8x32000xf32>
    %sub3A_118 = arith.subf %sub3A_117, %mul3A_116 : vector<8x32000xf32>
    %slice3A_119 = vector.extract_strided_slice %get3A_108 {offsets = [8, 0], sizes = [8, 1], strides = [1, 1]} : vector<16x1xf32> to vector<8x1xf32>
    %mul3A_120 = arith.mulf %mul3A_93, %mul3A_114 : vector<8x32000xf32>
    %sub3A_121 = vector.broadcast %slice3A_119 : vector<8x1xf32> to vector<8x32000xf32>
    %sub3A_122 = arith.subf %sub3A_121, %mul3A_120 : vector<8x32000xf32>
    %slice3A_123 = vector.extract_strided_slice %get3A_85 {offsets = [0, 0], sizes = [8, 32000], strides = [1, 1]} : vector<16x32000xf32> to vector<8x32000xf32>
    %slice3A_124 = vector.extract_strided_slice %get3A_85 {offsets = [8, 0], sizes = [8, 32000], strides = [1, 1]} : vector<16x32000xf32> to vector<8x32000xf32>
    %mul3A_125 = arith.mulf %slice3A_123, %mul3A_111 : vector<8x32000xf32>
    %add3A_126 = arith.addf %mul3A_125, %sub3A_118 : vector<8x32000xf32>
    %select_n3A_127 = arith.select %lt3A_29, %slice3A_123, %add3A_126 : vector<8x32000xi1>, vector<8x32000xf32>
    %swap3A_128 = arith.constant 0 : index
    %swap3A_129 = arith.constant 0 : index
    %swap3A_130 = vector.load %arg13[%swap3A_128, %swap3A_129] : memref<16x32000xf32, #tpu.memory_space<vmem>>, vector<8x32000xf32>
    tpu.vector_store %arg13[%swap3A_128, %swap3A_129], %select_n3A_127 {strides = array<i32>} : memref<16x32000xf32, #tpu.memory_space<vmem>>, vector<8x32000xf32>,
    %mul3A_131 = arith.mulf %slice3A_124, %mul3A_114 : vector<8x32000xf32>
    %add3A_132 = arith.addf %mul3A_131, %sub3A_122 : vector<8x32000xf32>
    %swap3A_133 = arith.constant 8 : index
    %swap3A_134 = arith.constant 0 : index
    %swap3A_135 = vector.load %arg13[%swap3A_133, %swap3A_134] : memref<16x32000xf32, #tpu.memory_space<vmem>>, vector<8x32000xf32>
    tpu.vector_store %arg13[%swap3A_133, %swap3A_134], %add3A_132 {strides = array<i32>} : memref<16x32000xf32, #tpu.memory_space<vmem>>, vector<8x32000xf32>,
    return
  }
  func.func @transform_0(%arg0: i32) -> (i32, i32) {
    %c0_i32 = arith.constant 0 : i32
    %c0_i32_0 = arith.constant 0 : i32
    return %arg0, %c0_i32 : i32, i32
  }
  func.func @transform_1(%arg0: i32) -> (i32, i32) {
    %c0_i32 = arith.constant 0 : i32
    %c0_i32_0 = arith.constant 0 : i32
    return %c0_i32, %arg0 : i32, i32
  }
  func.func @transform_2(%arg0: i32) -> (i32, i32) {
    %c0_i32 = arith.constant 0 : i32
    %c0_i32_0 = arith.constant 0 : i32
    return %c0_i32, %arg0 : i32, i32
  }
  func.func @transform_3(%arg0: i32) -> (i32, i32) {
    %c0_i32 = arith.constant 0 : i32
    %c0_i32_0 = arith.constant 0 : i32
    %c0_i32_1 = arith.constant 0 : i32
    return %c0_i32, %c0_i32_0 : i32, i32
  }
  func.func @transform_4(%arg0: i32) -> (i32, i32) {
    %c0_i32 = arith.constant 0 : i32
    %c0_i32_0 = arith.constant 0 : i32
    %c0_i32_1 = arith.constant 0 : i32
    return %c0_i32, %c0_i32_0 : i32, i32
  }
  func.func @transform_5(%arg0: i32) -> (i32, i32) {
    %c0_i32 = arith.constant 0 : i32
    %c0_i32_0 = arith.constant 0 : i32
    %c0_i32_1 = arith.constant 0 : i32
    return %c0_i32, %c0_i32_0 : i32, i32
  }
  func.func @transform_6(%arg0: i32) -> (i32, i32) {
    %c0_i32 = arith.constant 0 : i32
    %c0_i32_0 = arith.constant 0 : i32
    %c0_i32_1 = arith.constant 0 : i32
    return %c0_i32, %c0_i32_0 : i32, i32
  }
  func.func @transform_7(%arg0: i32) -> (i32, i32) {
    %c0_i32 = arith.constant 0 : i32
    %c0_i32_0 = arith.constant 0 : i32
    %c0_i32_1 = arith.constant 0 : i32
    return %c0_i32, %c0_i32_0 : i32, i32
  }
  func.func @transform_8(%arg0: i32) -> (i32, i32) {
    %c0_i32 = arith.constant 0 : i32
    %c0_i32_0 = arith.constant 0 : i32
    %c0_i32_1 = arith.constant 0 : i32
    return %c0_i32, %c0_i32_0 : i32, i32
  }
  func.func @transform_9(%arg0: i32) -> (i32, i32) {
    %c0_i32 = arith.constant 0 : i32
    %c0_i32_0 = arith.constant 0 : i32
    %c0_i32_1 = arith.constant 0 : i32
    return %c0_i32, %c0_i32_0 : i32, i32
  }
  func.func @transform_10(%arg0: i32) -> (i32, i32) {
    %c0_i32 = arith.constant 0 : i32
    %c0_i32_0 = arith.constant 0 : i32
    return %arg0, %c0_i32 : i32, i32
  }
  func.func @transform_11(%arg0: i32) -> (i32, i32) {
    %c0_i32 = arith.constant 0 : i32
    %c0_i32_0 = arith.constant 0 : i32
    return %c0_i32, %arg0 : i32, i32
  }
  func.func @transform_12(%arg0: i32) -> (i32, i32) {
    %c0_i32 = arith.constant 0 : i32
    %c0_i32_0 = arith.constant 0 : i32
    return %c0_i32, %arg0 : i32, i32
  }
}

</mosaic_0001>

<sc_bundles>
// kernel: kernel.4.cloned.1.call-start
scs
__scs_entry_jumppad:
0x0: {  	(pc) =	sbr.rel $0x88, $3  }
0x1: {  	(tag) =	ssettag $0x0;
	lr =	simm.s32 $0x1  }
0x2: {  	[smem:$0x3F98] =	sst lr;
	_ =	strace $0xD0000000  }
0x3: {  	_ = 	snop  }
0x4: {  	_ = 	snop  }
0x5: {  	_ = 	snop  }
0x6: {  	_ = 	snop  }
0x7: {  	_ = 	snop  }
__scs_overlays_trampoline_lowered:
0x8: {  	[smem:$0x3FA7] =	sst s0  }
0x9: {  	[smem:$0x3FA8] =	sst s1  }
0xa: {  	[smem:$0x3FA9] =	sst s2  }
0xb: {  	[smem:$0x3FAA] =	sst s3  }
0xc: {  	[smem:$0x3FAB] =	sst s4  }
0xd: {  	[smem:$0x3FAC] =	sst s5  }
0xe: {  	[smem:$0x3FAD] =	sst s6  }
0xf: {  	[smem:$0x3FAE] =	sst s7  }
0x10: {  	[smem:$0x3FAF] =	sst s8  }
0x11: {  	[smem:$0x3FB0] =	sst s9;
	s0 =	simm.s32 @!p0 $0x0  }
0x12: {  	s1 =	sld [smem:$0x3F96];
	s0 =	simm.s32 @p0 $0x1  }
0x13: {  	[smem:$0x3FB1] =	sst s0;
	s0 =	simm.s32 @!p1 $0x0  }
0x14: {  	s2 =	sld [smem:$0x3F95];
	s0 =	simm.s32 @p1 $0x1  }
0x15: {  	[smem:$0x3FB2] =	sst s0;
	s0 =	simm.s32 @!p2 $0x0  }
0x16: {  	s3 =	sld [smem:$0x3FDB];
	s0 =	simm.s32 @p2 $0x1  }
0x17: {  	s4 =	simm.s32 $0x1BF5;
	[smem:$0x3FB4] =	sst s0  }
0x18: {  	s0 =	sld [smem:$0x3F97];
	_ =	swait.ge [sflag:s4], $0x0  }
0x19: {  	s7 =	sld [smem:$0x3F98]  }
0x1a: {  	s8 =	sadd.s32 $0xFFFFE003, lr  }
0x1b: {  	s9 =	sadd.s32 $0xFFFFFEF7, lr;
	s5 =	simm.s32 $0xFFFFFFFF;
	p2 =	slt.u32 s8, $0xFFFFF086  }
0x1c: {  	p1 =	slt.u32 s9, $0xF7A;
	s5 =	simm.s32 @!p2 $0x0  }
0x1d: {  	s5 =	simm.s32 @p1 $0x1;
	p0 =	seq.s32 s7, s2  }
0x1e: {  	s7 =	smul.u32 @!p0 $0xF7A, s2;
	p2 =	seq.s32 @!p0 s5, $0x0  }
0x1f: {  	s9 =	smul.u32 $0xF7A, s1;
	s8 =	simm.s32 @!p0 $0x1BF5;
	p2 =	por !p2, p0  }
0x20: {  	[sflag:s8] =	ssyncset.s32 @!p0 $0xFFFFF086;
	s6 =	sadd.s32 @!p0 s3, s7;
	s7 =	simm.s32 @!p0 $0x108  }
0x21: {  	s3 =	sadd.s32 s3, s9;
	s6 =	sadd.s32 @!p0 $0x88, s6;
	s7 =	simm.s32 @p2 $0x1082  }
0x22: {  	[simem:s7], [sflag:s8] =	dma.local @!p0 [hbm:s6], $0xF7A  }
0x23: {  	s9 =	sor.u32 $0xD0000000, s2;
	s6 =	simm.s32 $0x108;
	_ =	swait.ge @!p0 [sflag:s8], $0x0  }
0x24: {  	s3 =	sadd.s32 $0x88, s3;
	s6 =	simm.s32 @!p1 $0x1082;
	[sflag:s4] =	ssyncset.s32 $0xFFFFF086  }
0x25: {  	[simem:s6], [sflag:s4] =	dma.local [hbm:s3], $0xF7A  }
0x26: {  	[smem:$0x3F98] =	sst s1;
	(tag) =	ssettag s2;
	_ =	strace s9  }
0x27: {  	s1 =	sld [smem:$0x3FA8]  }
0x28: {  	s2 =	sld [smem:$0x3FA9]  }
0x29: {  	s4 =	sld [smem:$0x3FAB]  }
0x2a: {  	p0 =	seq.s32 s5, $0x0;
	s5 =	sld [smem:$0x3FAC]  }
0x2b: {  	s6 =	sld [smem:$0x3FAD]  }
0x2c: {  	s7 =	sld [smem:$0x3FAE]  }
0x2d: {  	s3 =	simm.s32 $0x108;
	s8 =	sld [smem:$0x3FAF]  }
0x2e: {  	s3 =	simm.s32 @!p0 $0x1082;
	s9 =	sld [smem:$0x3FB0]  }
0x2f: {  	lr =	sadd.s32 s0, s3;
	s0 =	sld [smem:$0x3FA7]  }
0x30: {  	s3 =	sld [smem:$0x3FAA]  }
0x31: {  	[smem:$0x3FB3] =	sst s10  }
0x32: {  	s10 =	sld [smem:$0x3FB1];
	_ =	sdelay $0x3  }
0x33: {  	p0 =	seq.s32 s10, $0x1;
	s10 =	sld [smem:$0x3FB3];
	_ =	sdelay $0x3  }
0x34: {  	[smem:$0x3FB3] =	sst s10  }
0x35: {  	s10 =	sld [smem:$0x3FB2];
	_ =	sdelay $0x3  }
0x36: {  	p1 =	seq.s32 s10, $0x1;
	s10 =	sld [smem:$0x3FB3];
	_ =	sdelay $0x3  }
0x37: {  	[smem:$0x3FB3] =	sst s10  }
0x38: {  	s10 =	sld [smem:$0x3FB4]  }
0x39: {  	_ = 	snop;
	(pc) =	sbr.ind lr, $3  }
0x3a: {  	_ = 	snop  }
0x3b: {  	_ = 	snop  }
0x3c: {  	p2 =	seq.s32 s10, $0x1;
	s10 =	sld [smem:$0x3FB3]  }
0x3d: {  	_ =	shalt  }
0x3e: {  	_ =	shalt  }
0x3f: {  	_ =	shalt  }
0x40: {  	_ =	shalt  }
0x41: {  	_ =	shalt  }
0x42: {  	_ =	shalt  }
0x43: {  	_ =	shalt  }
0x44: {  	_ =	shalt  }
0x45: {  	_ =	shalt  }
0x46: {  	_ =	shalt  }
0x47: {  	_ =	shalt  }
0x48: {  	_ =	shalt  }
0x49: {  	_ =	shalt  }
0x4a: {  	_ =	shalt  }
0x4b: {  	_ =	shalt  }
0x4c: {  	_ =	shalt  }
0x4d: {  	_ =	shalt  }
0x4e: {  	_ =	shalt  }
0x4f: {  	_ =	shalt  }
0x50: {  	_ =	shalt  }
0x51: {  	_ =	shalt  }
0x52: {  	_ =	shalt  }
0x53: {  	_ =	shalt  }
0x54: {  	_ =	shalt  }
0x55: {  	_ =	shalt  }
0x56: {  	_ =	shalt  }
0x57: {  	_ =	shalt  }
0x58: {  	_ =	shalt  }
0x59: {  	_ =	shalt  }
0x5a: {  	_ =	shalt  }
0x5b: {  	_ =	shalt  }
0x5c: {  	_ =	shalt  }
0x5d: {  	_ =	shalt  }
0x5e: {  	_ =	shalt  }
0x5f: {  	_ =	shalt  }
0x60: {  	_ =	shalt  }
0x61: {  	_ =	shalt  }
0x62: {  	_ =	shalt  }
0x63: {  	_ =	shalt  }
0x64: {  	_ =	shalt  }
0x65: {  	_ =	shalt  }
0x66: {  	_ =	shalt  }
0x67: {  	_ =	shalt  }
0x68: {  	_ =	shalt  }
0x69: {  	_ =	shalt  }
0x6a: {  	_ =	shalt  }
0x6b: {  	_ =	shalt  }
0x6c: {  	_ =	shalt  }
0x6d: {  	_ =	shalt  }
0x6e: {  	_ =	shalt  }
0x6f: {  	_ =	shalt  }
0x70: {  	_ =	shalt  }
0x71: {  	_ =	shalt  }
0x72: {  	_ =	shalt  }
0x73: {  	_ =	shalt  }
0x74: {  	_ =	shalt  }
0x75: {  	_ =	shalt  }
0x76: {  	_ =	shalt  }
0x77: {  	_ =	shalt  }
0x78: {  	_ =	shalt  }
0x79: {  	_ =	shalt  }
0x7a: {  	_ =	shalt  }
0x7b: {  	_ =	shalt  }
0x7c: {  	_ =	shalt  }
0x7d: {  	_ =	shalt  }
0x7e: {  	_ =	shalt  }
0x7f: {  	_ =	shalt  }
0x80: {  	_ =	shalt  }
0x81: {  	_ =	shalt  }
0x82: {  	_ =	shalt  }
0x83: {  	_ =	shalt  }
0x84: {  	_ =	shalt  }
0x85: {  	_ =	shalt  }
0x86: {  	_ =	shalt  }
0x87: {  	_ =	shalt  }
.Lfunc_end0:
.L_simem_size_0:
called_computation_lowered:
.L_overlay_start_0:
0x88: {  	s2 =	sld [smem:$0x3FD9]  }
0x89: {  	s3 =	sld [smem:$0x3FFE];
	_ =	sdelay $0x1  }
0x8a: {  	s1 =	srdreg.scid  }
0x8b: {  	s0 =	sand.u32 $0x1, s1  }
0x8c: {  	s14 =	sshll.u32 s0, $0xA;
	s2 =	sadd.s32 s3, s2  }
0x8d: {  	s2 =	sadd.s32 s2, s14  }
0x8e: {  	[smem:$0x3FBF] =	sst s2  }
0x8f: {  	_ = 	snop  }
0x90: {  	s2 =	sld [smem:$0x3FD0];
	_ =	sdelay $0x2  }
0x91: {  	s4 =	simm.s32 $0xA;
	s5 =	simm.s32 $0x10;
	s15 =	sld [smem:$0x3FC9]  }
0x92: {  	[smem:s5], [sflag:s4] =	dma.local [hbm:s2], $0x1  }
0x93: {  	_ =	swait.eq [sflag:s4], $0x1  }
0x94: {  	[sflag:s4] =	ssyncset.done $0x0  }
0x95: {  	[sflag:s4] =	ssyncadd.s32 $0xFFFFFFFF  }
0x96: {  	s16 =	sld [smem:$0x10];
	(tm) =	ssettm $0x1  }
0x97: {  	s17 =	sld [smem:$0x3FFB];
	_ =	sdelay $0x3  }
0x98: {  	_ =	strace s17  }
0x99: {  	s4 =	sld [smem:$0x3FFC];
	_ =	sdelay $0x3  }
0x9a: {  	_ =	strace s4  }
0x9b: {  	s4 =	sld [smem:$0x3FFD];
	_ =	sdelay $0x3  }
0x9c: {  	_ =	strace s4  }
0x9d: {  	_ =	strace $0x8FFFFFFF  }
0x9e: {  	s18 =	sld [smem:$0x3FDB];
	_ =	sdelay $0x1  }
0x9f: {  	s19 =	simm.s32 $_scs_section_size  }
0xa0: {  	s6 =	simm.s32 $_size__tile_overlayer_lowered;
	s7 =	simm.s32 $_tile_overlayer_lowered  }
0xa1: {  	s22 =	simm.s32 $0x1BFF;
	s21 =	sshll.u32 s7, $0x1;
	s4 =	sadd.s32 s19, s18  }
0xa2: {  	s8 =	simm.s32 $0x0;
	s20 =	sshll.u32 s6, $0x1;
	s6 =	sadd.s32 s21, s4  }
0xa3: {  	[timem:s8], [sflag:s22] =	dma.local [hbm:s6], s20  }
0xa4: {  	_ =	swait.ge [sflag:s22], s20  }
0xa5: {  	s5 =	ssub.s32 $0x0, s20;
	[sflag:s22] =	ssyncset.done $0x0  }
0xa6: {  	[sflag:s22] =	ssyncadd.s32 s5;
	_ =	sdelay $0x1  }
0xa7: {  	s23 =	simm.s32 $0x1B8B  }
0xa8: {  	_ =	swait.ge [sflag:s23], $0x1  }
0xa9: {  	[sflag:s23] =	ssyncset.done $0x0  }
0xaa: {  	s25 =	simm.s32 $0x1B8E;
	s24 =	sld [smem:$0x3FFE];
	[sflag:s23] =	ssyncadd.s32 $0xFFFFFFFF  }
0xab: {  	s26 =	simm.s32 $execute0_lowered;
	[smem:$0x3FD2] =	sst s25  }
0xac: {  	s6 =	sshll.u32 s26, $0x1;
	_ =	strace $0x80000046;
	[dreg:$0x1] =	wrdreg $0xFFFFFFFF  }
0xad: {  	s28 =	simm.s32 $_size_execute0_lowered;
	s4 =	sadd.s32 s4, s6;
	[dreg:$0x0] =	wrdreg $0x0  }
0xae: {  	s6 =	sshll.u32 s28, $0x1;
	[dreg:$0x2] =	wrdreg s4  }
0xaf: {  	[dreg:$0x3] =	wrdreg s6  }
0xb0: {  	[dreg:$0x4] =	wrdreg $0xC0  }
0xb1: {  	_ =	task [dreg:s8], $0x5FFFF  }
0xb2: {  	[dreg:$0x1] =	wrdreg $0xFFFFFFFF  }
0xb3: {  	[dreg:$0x0] =	wrdreg $0x60  }
0xb4: {  	[dreg:$0x2] =	wrdreg s15  }
0xb5: {  	[dreg:$0x3] =	wrdreg s16  }
0xb6: {  	[dreg:$0x4] =	wrdreg s24  }
0xb7: {  	[dreg:$0x5] =	wrdreg $0x9  }
0xb8: {  	_ =	task.clear_ibuf [dreg:s8], $0x6FFFF;
	_ =	strace $0x90000046  }
0xb9: {  	s29 =	simm.s32 $0x9;
	_ =	strace $0x80000048  }
0xba: {  	_ =	swait.ge [sflag:s29], $0x1  }
0xbb: {  	[sflag:s29] =	ssyncadd.s32 $0xFFFFFFFF  }
0xbc: {  	_ =	strace $0x90000048  }
0xbd: {  	_ =	sfence  }
0xbe: {  	s30 =	sld [smem:$0x0];
	_ =	sdelay $0x2  }
0xbf: {  	s31 =	sshll.u32 s1, $0xD;
	s1 =	sshrl.u32 s1, $0x2  }
0xc0: {  	s3 =	sand.u32 $0x4000, s31;
	s1 =	sadd.s32 s1, s30  }
0xc1: {  	s0 =	sor.u32 s3, s0;
	s1 =	sshll.u32 s1, $0x11  }
0xc2: {  	s0 =	sor.u32 s1, s0  }
0xc3: {  	s0 =	sadd.s32 $0x8F2B, s0  }
0xc4: {  	[sflag:s0] =	ssyncadd.remote.s32 $0x1  }
0xc5: {  	_ =	sfence.sel $0xFFFF  }
0xc6: {  	[dreg:$0x0] =	wrdreg $0xFFFFFFFF;
	(pc) =	sbr.abs _section_cstart, $3  }
0xc7: {  	[dreg:$0x1] =	wrdreg $0xFFFFFFFF  }
0xc8: {  	_ =	task.clear_ibuf [dreg:s8], $0x2FFFF;
	_ =	strace $0x9FFFFFFF  }
0xc9: {  	(tm) =	ssettm $0x7FFFFFFF  }
tec
execute0_lowered:
.L_overlay_start_1:
0x0: {  	(tag) =	ssettag $0x1  }
0x1: {  	s1 =	rddreg [dreg:$0x0]  }
0x2: {  	s2 =	rddreg [dreg:$0x1]  }
0x3: {  	s7 =	rddreg [dreg:$0x2]  }
0x4: {  	s4 =	srdreg.scid;
	s0 =	rddreg [dreg:$0x3];
	s3 =	simm.s32 $0x0  }
0x5: {  	s5 =	stileid.u32;
	s10 =	simm.s32 $0x2800;
	s11 =	simm.s32 $0x1  }
.Ltmp0:
0x6: {  	s12 =	simm.s32 $0x2C00;
	s4 =	sand.u32 $0x1, s4;
	(pc) =	sbr.rel .LBB2_1-.Ltmp0, $4  }
0x7: {  	s13 =	simm.s32 $0x2;
	s14 =	simm.s32 $0x1400;
	s8 =	ssub.s32 $0x2, s4  }
0x8: {  	s15 =	simm.s32 $0x0;
	[smem:$0x7FF] =	sst s3;
	s9 =	sshrl.u32 s8, $0x1  }
0x9: {  	s6 =	sadd.s32 $0x1400, s7;
	s7 =	sadd.s32 $0x1600, s7;
	s9 =	ssub.s32 s8, s9  }
0xa: {  	_ =	strace $0x80000047;
	s8 =	sshll.u32 s5, $0x1;
	s9 =	smax.u32 s9, $0x1  }
.LBB2_7:
0xb: {  	s15 =	sadd.s32 $0x1, s15  }
0xc: {  	p0 =	sne.s32 s15, s9  }
.Ltmp1:
0xd: {  	_ = 	snop;
	(pc) =	sbr.rel @!p0 .LBB2_8-.Ltmp1, $1  }
0xe: {  	_ =	sdelay $0x3  }
.LBB2_1:
0xf: {  	[tilespmem:s10], [sflag:$0x1] =	stream.linear.gather [hbm4b:s2+s3], $0x400, $0x38;
	[tilespmem:$0x3000] =	vst v63  }
0x10: {  	_ =	swait.ge [sflag:s11], $0x400  }
0x11: {  	[sflag:s11] =	ssyncset.done $0x0  }
.Ltmp2:
0x12: {  	[sflag:s11] =	ssyncadd.s32 $0xFFFFFC00;
	(pc) =	sbr.rel .LBB2_2-.Ltmp2, $4  }
0x13: {  	[tilespmem:s12], [sflag:$0x1] =	stream.linear.gather [hbm4b:s6+s3], $0x400, $0x38;
	[tilespmem:$0x3000] =	vst v63  }
0x14: {  	_ =	swait.ge [sflag:s11], $0x400  }
0x15: {  	[sflag:s11] =	ssyncset.done $0x0  }
0x16: {  	p1 =	por $0x1, $0x1;
	s16 =	simm.s32 $0x0;
	[sflag:s11] =	ssyncadd.s32 $0xFFFFFC00  }
.LBB2_6:
.Ltmp3:
0x17: {  	(pc) =	sbr.rel @!p0 .LBB2_7-.Ltmp3, $2  }
0x18: {  	_ =	sdelay $0x2  }
0x19: {  	s16 =	simm.s32 $0x20;
	p1 =	por $0x0, $0x0  }
.LBB2_2:
0x1a: {  	s16 =	sor.u32 s8, s16  }
0x1b: {  	p2 =	sgt.u32 s16, $0x31  }
.Ltmp4:
0x1c: {  	_ = 	snop;
	(pc) =	sbr.rel @p2 .LBB2_6-.Ltmp4, $2  }
0x1d: {  	_ =	sdelay $0x2  }
0x1e: {  	p0 =	por p1, p1  }
0x1f: {  	s16 =	sor.u32 s4, s16  }
0x20: {  	s17 =	smul.u32 $0x1400, s16;
	_ =	sdelay $0x1  }
0x21: {  	s17 =	sshrl.u32 s17, $0x3  }
0x22: {  	s17 =	sadd.s32 s1, s17  }
0x23: {  	s18 =	simm.s32 $0x0;
	s17 =	sadd.s32 $0x1F400, s17  }
0x24: {  	[tilespmem:s18], [sflag:$0x2] =	stream.linear.gather [hbm4b:s17+s18], $0x1400, $0x38;
	[tilespmem:$0x3000] =	vst v63  }
0x25: {  	_ =	swait.ge [sflag:s13], $0x1400  }
0x26: {  	[sflag:s13] =	ssyncset.done $0x0  }
0x27: {  	s17 =	simm.s32 $0x0;
	[sflag:s13] =	ssyncadd.s32 $0xFFFFEC00  }
0x28: {  	v5 =	vld [tilespmem:s17+$0x0]  }
0x29: {  	v8 =	vld [tilespmem:s17+$0x10];
	_ =	sdelay $0x1  }
0x2a: {  	v9 =	vld [tilespmem:s17+$0x20];
	_ =	sdelay $0x1  }
0x2b: {  	v4 =	vld [tilespmem:s17+$0x30]  }
0x2c: {  	v0 =	vadd.f32 v8, v5;
	v1 =	vmul.f32 v5, v5;
	v2 =	vmul.f32 v8, v8  }
0x2d: {  	v3 =	vld [tilespmem:s17+$0x40]  }
0x2e: {  	v6 =	vmul.f32 v9, v9;
	v0 =	vadd.f32 v9, v0;
	v1 =	vadd.f32 v2, v1  }
0x2f: {  	v2 =	vld [tilespmem:s17+$0x50]  }
0x30: {  	v7 =	vmul.f32 v4, v4;
	v0 =	vadd.f32 v4, v0;
	v6 =	vadd.f32 v6, v1  }
0x31: {  	v1 =	vld [tilespmem:s17+$0x60]  }
0x32: {  	v10 =	vadd.f32 v3, v0;
	v6 =	vadd.f32 v7, v6;
	v7 =	vmul.f32 v3, v3  }
0x33: {  	v0 =	vld [tilespmem:s17+$0x70]  }
0x34: {  	v10 =	vadd.f32 v2, v10;
	v6 =	vadd.f32 v7, v6;
	v7 =	vmul.f32 v2, v2;
	_ =	sdelay $0x1  }
0x35: {  	v10 =	vadd.f32 v1, v10;
	v6 =	vadd.f32 v7, v6;
	v7 =	vmul.f32 v1, v1;
	_ =	sdelay $0x1  }
0x36: {  	v10 =	vadd.f32 v0, v10;
	v6 =	vadd.f32 v7, v6;
	v7 =	vmul.f32 v0, v0;
	_ =	sdelay $0x1  }
0x37: {  	(xrf2) =	vadd.scan.msk.f32 $0xffff, v10;
	v6 =	vadd.f32 v7, v6;
	_ =	sdelay $0x1  }
0x38: {  	(xrf2) =	vadd.scan.msk.f32 $0xffff, v6;
	_ =	sdelay $0x7  }
0x39: {  	v6, _, _ =	vpop (xrf2)  }
0x3a: {  	v6 =	vmul.f32 $7.812500000e-03, v6  }
0x3b: {  	v7, _, _ =	vpop (xrf2)  }
0x3c: {  	v7 =	vmul.f32 $7.812500000e-03, v7;
	v10 =	vmul.f32 v6, v6;
	_ =	sdelay $0x1  }
0x3d: {  	v7 =	vsub.f32 v7, v10;
	_ =	sdelay $0x1  }
0x3e: {  	v7 =	vadd.f32 $9.999999740e-06, v7;
	_ =	sdelay $0x1  }
0x3f: {  	v7 =	vbroadcast v7, $0xF;
	_ =	sdelay $0x1  }
0x40: {  	v10 =	vshra.s32 v7, $0x1;
	v7 =	vmul.f32 $5.000000000e-01, v7  }
0x41: {  	v10 =	vsub.s32 $0x5F3759DF, v10  }
0x42: {  	v11 =	vmul.f32 v10, v7;
	_ =	sdelay $0x1  }
0x43: {  	v11 =	vmul.f32 v10, v11;
	_ =	sdelay $0x1  }
0x44: {  	v11 =	vsub.f32 $1.500000000e+00, v11;
	_ =	sdelay $0x1  }
0x45: {  	v10 =	vmul.f32 v10, v11;
	_ =	sdelay $0x1  }
0x46: {  	v11 =	vmul.f32 v10, v7;
	_ =	sdelay $0x1  }
0x47: {  	v11 =	vmul.f32 v11, v10;
	_ =	sdelay $0x1  }
0x48: {  	v11 =	vsub.f32 $1.500000000e+00, v11;
	_ =	sdelay $0x1  }
0x49: {  	v10 =	vmul.f32 v11, v10;
	_ =	sdelay $0x1  }
0x4a: {  	v7 =	vmul.f32 v10, v7;
	_ =	sdelay $0x1  }
0x4b: {  	v7 =	vmul.f32 v7, v10;
	_ =	sdelay $0x1  }
0x4c: {  	v6 =	vbroadcast v6, $0xF;
	v7 =	vsub.f32 $1.500000000e+00, v7  }
0x4d: {  	v11 =	vld [tilespmem:$0x2800]  }
0x4e: {  	v5 =	vsub.f32 v5, v6;
	v7 =	vmul.f32 v7, v10  }
0x4f: {  	v10 =	vld [tilespmem:$0x2C00]  }
0x50: {  	v5 =	vmul.f32 v7, v5;
	_ =	sdelay $0x1  }
0x51: {  	v5 =	vmul.f32 v5, v11;
	_ =	sdelay $0x1  }
0x52: {  	v5 =	vadd.f32 v5, v10;
	_ =	sdelay $0x1  }
0x53: {  	[tilespmem:s17+$0x1400] =	vst v5  }
0x54: {  	v5 =	vld [tilespmem:$0x2880]  }
0x55: {  	v8 =	vsub.f32 v8, v6  }
0x56: {  	v10 =	vld [tilespmem:$0x2C80]  }
0x57: {  	v11 =	vmul.f32 v7, v8  }
0x58: {  	s18 =	simm.s32 $0x80  }
0x59: {  	v8 =	vld [tilespmem:s18+$0x0];
	v11 =	vmul.f32 v11, v5  }
0x5a: {  	s19 =	simm.s32 $0x400;
	v5 =	vld [tilespmem:s18+$0x10]  }
.LBB2_4:
0x5b: {  	p1 =	sne.s32 s19, $0x4E00;
	v10 =	vadd.f32 v11, v10  }
0x5c: {  	v11 =	vld [tilespmem:s18+$0x20]  }
0x5d: {  	v12 =	vld [tilespmem:s18+$0x30];
	[tilespmem:s17+$0x1410] =	vst v10  }
0x5e: {  	v10 =	vld [tilespmem:$0x2900]  }
0x5f: {  	v19 =	vsub.f32 v9, v6;
	v13 =	vld [tilespmem:s18+$0x40];
	v14 =	vadd.f32 v5, v8  }
0x60: {  	v15 =	vmul.f32 v8, v8;
	v16 =	vmul.f32 v5, v5;
	v17 =	vld [tilespmem:$0x2D00]  }
0x61: {  	v18 =	vmul.f32 v7, v19;
	v14 =	vadd.f32 v11, v14;
	v9 =	vmov v11  }
0x62: {  	v15 =	vadd.f32 v16, v15;
	v19 =	vld [tilespmem:s18+$0x50];
	v11 =	vmul.f32 v11, v9  }
0x63: {  	v14 =	vadd.f32 v12, v14;
	v10 =	vmul.f32 v18, v10  }
0x64: {  	v16 =	vld [tilespmem:s18+$0x60];
	v11 =	vadd.f32 v11, v15;
	v15 =	vmul.f32 v12, v12  }
0x65: {  	v14 =	vadd.f32 v13, v14;
	v10 =	vadd.f32 v10, v17  }
0x66: {  	v17 =	vld [tilespmem:s18+$0x70];
	v11 =	vadd.f32 v15, v11;
	v15 =	vmul.f32 v13, v13  }
0x67: {  	v14 =	vadd.f32 v19, v14;
	[tilespmem:s17+$0x1420] =	vst v10  }
0x68: {  	v10 =	vadd.f32 v15, v11;
	v11 =	vmul.f32 v19, v19;
	v15 =	vld [tilespmem:$0x2980]  }
0x69: {  	v18 =	vsub.f32 v4, v6;
	v4 =	vmov v12;
	v14 =	vadd.f32 v16, v14  }
0x6a: {  	v10 =	vadd.f32 v11, v10;
	v11 =	vmul.f32 v16, v16;
	v12 =	vld [tilespmem:$0x2D80]  }
0x6b: {  	v18 =	vmul.f32 v7, v18;
	v14 =	vadd.f32 v17, v14  }
0x6c: {  	v10 =	vadd.f32 v11, v10;
	v11 =	vmul.f32 v17, v17  }
0x6d: {  	(xrf2) =	vadd.scan.msk.f32 $0xffff, v14;
	v14 =	vmul.f32 v18, v15  }
0x6e: {  	v10 =	vadd.f32 v11, v10  }
0x6f: {  	v11 =	vadd.f32 v14, v12  }
0x70: {  	(xrf2) =	vadd.scan.msk.f32 $0xffff, v10  }
0x71: {  	[tilespmem:s17+$0x1430] =	vst v11  }
0x72: {  	v10 =	vld [tilespmem:$0x2A00]  }
0x73: {  	v11 =	vsub.f32 v3, v6;
	v3 =	vmov v13  }
0x74: {  	v12 =	vld [tilespmem:$0x2E00]  }
0x75: {  	v11 =	vmul.f32 v7, v11;
	_ =	sdelay $0x1  }
0x76: {  	v13, _, _ =	vpop (xrf2);
	v10 =	vmul.f32 v11, v10;
	_ =	sdelay $0x1  }
0x77: {  	v11 =	vmul.f32 $7.812500000e-03, v13;
	v10 =	vadd.f32 v10, v12  }
0x78: {  	v12, _, _ =	vpop (xrf2)  }
0x79: {  	v13 =	vmul.f32 v11, v11;
	v12 =	vmul.f32 $7.812500000e-03, v12;
	[tilespmem:s17+$0x1440] =	vst v10  }
0x7a: {  	v10 =	vld [tilespmem:$0x2A80]  }
0x7b: {  	v12 =	vsub.f32 v12, v13;
	v13 =	vsub.f32 v2, v6;
	v2 =	vmov v19  }
0x7c: {  	v14 =	vld [tilespmem:$0x2E80]  }
0x7d: {  	v12 =	vadd.f32 $9.999999740e-06, v12;
	v13 =	vmul.f32 v7, v13;
	_ =	sdelay $0x1  }
0x7e: {  	v12 =	vbroadcast v12, $0xF;
	v10 =	vmul.f32 v13, v10;
	_ =	sdelay $0x1  }
0x7f: {  	v13 =	vshra.s32 v12, $0x1;
	v12 =	vmul.f32 $5.000000000e-01, v12;
	v10 =	vadd.f32 v10, v14  }
0x80: {  	v13 =	vsub.s32 $0x5F3759DF, v13  }
0x81: {  	v14 =	vmul.f32 v13, v12;
	[tilespmem:s17+$0x1450] =	vst v10  }
0x82: {  	v10 =	vld [tilespmem:$0x2B00]  }
0x83: {  	v15 =	vsub.f32 v1, v6;
	v1 =	vmov v16;
	v14 =	vmul.f32 v13, v14;
	v18 =	vld [tilespmem:$0x2F00];
	_ =	sdelay $0x1  }
0x84: {  	v15 =	vmul.f32 v7, v15;
	v14 =	vsub.f32 $1.500000000e+00, v14;
	_ =	sdelay $0x1  }
0x85: {  	v13 =	vmul.f32 v13, v14;
	v10 =	vmul.f32 v15, v10;
	_ =	sdelay $0x1  }
0x86: {  	v14 =	vmul.f32 v13, v12;
	v10 =	vadd.f32 v10, v18;
	_ =	sdelay $0x1  }
0x87: {  	v14 =	vmul.f32 v14, v13;
	[tilespmem:s17+$0x1460] =	vst v10  }
0x88: {  	v10 =	vld [tilespmem:$0x2B80]  }
0x89: {  	v6 =	vsub.f32 v0, v6;
	v0 =	vmov v17;
	v14 =	vsub.f32 $1.500000000e+00, v14;
	v15 =	vld [tilespmem:$0x2F80];
	_ =	sdelay $0x1  }
0x8a: {  	v6 =	vmul.f32 v7, v6;
	v13 =	vmul.f32 v14, v13;
	_ =	sdelay $0x1  }
0x8b: {  	v7 =	vmul.f32 v13, v12;
	v6 =	vmul.f32 v6, v10;
	_ =	sdelay $0x1  }
0x8c: {  	v7 =	vmul.f32 v7, v13;
	v10 =	vadd.f32 v6, v15;
	_ =	sdelay $0x1  }
0x8d: {  	v6 =	vbroadcast v11, $0xF;
	v7 =	vsub.f32 $1.500000000e+00, v7;
	[tilespmem:s17+$0x1470] =	vst v10;
	s17 =	smov.u32 s18  }
0x8e: {  	v10 =	vld [tilespmem:$0x2800]  }
0x8f: {  	v8 =	vsub.f32 v8, v6;
	v7 =	vmul.f32 v7, v13;
	v11 =	vld [tilespmem:$0x2C00];
	_ =	sdelay $0x1  }
0x90: {  	v8 =	vmul.f32 v7, v8;
	_ =	sdelay $0x1  }
0x91: {  	v8 =	vmul.f32 v8, v10;
	_ =	sdelay $0x1  }
0x92: {  	v8 =	vadd.f32 v8, v11;
	_ =	sdelay $0x1  }
0x93: {  	[tilespmem:s17+$0x1400] =	vst v8  }
0x94: {  	v11 =	vld [tilespmem:$0x2880]  }
0x95: {  	v5 =	vsub.f32 v5, v6  }
.Ltmp5:
0x96: {  	v10 =	vld [tilespmem:$0x2C80];
	(pc) =	sbr.rel @p1 .LBB2_4-.Ltmp5, $4  }
0x97: {  	v5 =	vmul.f32 v7, v5  }
0x98: {  	s18 =	sshra.s32 s19, $0x2  }
0x99: {  	v8 =	vld [tilespmem:s18+$0x0];
	v11 =	vmul.f32 v5, v11  }
0x9a: {  	s19 =	sadd.s32 $0x200, s19;
	v5 =	vld [tilespmem:s18+$0x10]  }
0x9b: {  	v10 =	vadd.f32 v11, v10  }
0x9c: {  	v21 =	vld [tilespmem:s18+$0x20]  }
0x9d: {  	v12 =	vld [tilespmem:s18+$0x30];
	[tilespmem:s17+$0x1410] =	vst v10  }
0x9e: {  	v10 =	vld [tilespmem:$0x2900]  }
0x9f: {  	v9 =	vsub.f32 v9, v6  }
0xa0: {  	v14 =	vmul.f32 v8, v8;
	v16 =	vld [tilespmem:$0x2D00];
	v13 =	vadd.f32 v5, v8;
	v15 =	vmul.f32 v5, v5  }
0xa1: {  	v9 =	vmul.f32 v7, v9;
	v17 =	vld [tilespmem:s18+$0x40]  }
0xa2: {  	v22 =	vmul.f32 v21, v21;
	v13 =	vadd.f32 v21, v13;
	v14 =	vadd.f32 v15, v14  }
0xa3: {  	v18 =	vld [tilespmem:s18+$0x50];
	v9 =	vmul.f32 v9, v10  }
0xa4: {  	v25 =	vmul.f32 v12, v12;
	v23 =	vadd.f32 v12, v13;
	v24 =	vadd.f32 v22, v14  }
0xa5: {  	v26 =	vld [tilespmem:s18+$0x60];
	v9 =	vadd.f32 v9, v16  }
0xa6: {  	v28 =	vmul.f32 v17, v17;
	v10 =	vadd.f32 v17, v23;
	v13 =	vadd.f32 v25, v24  }
0xa7: {  	v27 =	vld [tilespmem:s18+$0x70];
	[tilespmem:s17+$0x1420] =	vst v9  }
0xa8: {  	v31 =	vmul.f32 v18, v18;
	v29 =	vadd.f32 v18, v10;
	v30 =	vadd.f32 v28, v13;
	v32 =	vld [tilespmem:$0x2980]  }
0xa9: {  	v4 =	vsub.f32 v4, v6  }
0xaa: {  	v33 =	vmul.f32 v26, v26;
	v19 =	vld [tilespmem:$0x2D80];
	v9 =	vadd.f32 v26, v29;
	v10 =	vadd.f32 v31, v30  }
0xab: {  	v4 =	vmul.f32 v7, v4  }
0xac: {  	v34 =	vmul.f32 v27, v27;
	v9 =	vadd.f32 v27, v9;
	v10 =	vadd.f32 v33, v10  }
0xad: {  	v4 =	vmul.f32 v4, v32  }
0xae: {  	(xrf2) =	vadd.scan.msk.f32 $0xffff, v9;
	v35 =	vadd.f32 v34, v10  }
0xaf: {  	v4 =	vadd.f32 v4, v19  }
0xb0: {  	(xrf2) =	vadd.scan.msk.f32 $0xffff, v35  }
0xb1: {  	[tilespmem:s17+$0x1430] =	vst v4  }
0xb2: {  	v4 =	vld [tilespmem:$0x2A00]  }
0xb3: {  	v3 =	vsub.f32 v3, v6  }
0xb4: {  	v36 =	vld [tilespmem:$0x2E00]  }
0xb5: {  	v3 =	vmul.f32 v7, v3;
	_ =	sdelay $0x1  }
0xb6: {  	v3 =	vmul.f32 v3, v4  }
0xb7: {  	v37, _, _ =	vpop (xrf2)  }
0xb8: {  	v4 =	vmul.f32 $7.812500000e-03, v37;
	v3 =	vadd.f32 v3, v36  }
0xb9: {  	v38, _, _ =	vpop (xrf2)  }
0xba: {  	v9 =	vmul.f32 $7.812500000e-03, v38;
	v39 =	vmul.f32 v4, v4;
	[tilespmem:s17+$0x1440] =	vst v3  }
0xbb: {  	v3 =	vld [tilespmem:$0x2A80]  }
0xbc: {  	v2 =	vsub.f32 v2, v6;
	v9 =	vsub.f32 v9, v39  }
0xbd: {  	v40 =	vld [tilespmem:$0x2E80]  }
0xbe: {  	v2 =	vmul.f32 v7, v2;
	v9 =	vadd.f32 $9.999999740e-06, v9;
	_ =	sdelay $0x1  }
0xbf: {  	v9 =	vbroadcast v9, $0xF;
	v2 =	vmul.f32 v2, v3;
	_ =	sdelay $0x1  }
0xc0: {  	v41 =	vshra.s32 v9, $0x1;
	v9 =	vmul.f32 $5.000000000e-01, v9;
	v2 =	vadd.f32 v2, v40  }
0xc1: {  	v3 =	vsub.s32 $0x5F3759DF, v41  }
0xc2: {  	v42 =	vmul.f32 v3, v9;
	[tilespmem:s17+$0x1450] =	vst v2  }
0xc3: {  	v2 =	vld [tilespmem:$0x2B00]  }
0xc4: {  	v1 =	vsub.f32 v1, v6;
	v10 =	vmul.f32 v3, v42  }
0xc5: {  	v43 =	vld [tilespmem:$0x2F00]  }
0xc6: {  	v1 =	vmul.f32 v7, v1;
	v10 =	vsub.f32 $1.500000000e+00, v10;
	_ =	sdelay $0x1  }
0xc7: {  	v3 =	vmul.f32 v3, v10;
	v1 =	vmul.f32 v1, v2;
	_ =	sdelay $0x1  }
0xc8: {  	v44 =	vmul.f32 v3, v9;
	v1 =	vadd.f32 v1, v43;
	_ =	sdelay $0x1  }
0xc9: {  	v2 =	vmul.f32 v44, v3;
	[tilespmem:s17+$0x1460] =	vst v1  }
0xca: {  	v1 =	vld [tilespmem:$0x2B80]  }
0xcb: {  	v0 =	vsub.f32 v0, v6;
	v2 =	vsub.f32 $1.500000000e+00, v2  }
0xcc: {  	v45 =	vld [tilespmem:$0x2F80]  }
0xcd: {  	v0 =	vmul.f32 v7, v0;
	v2 =	vmul.f32 v2, v3;
	_ =	sdelay $0x1  }
0xce: {  	v3 =	vmul.f32 v2, v9;
	v0 =	vmul.f32 v0, v1;
	_ =	sdelay $0x1  }
0xcf: {  	v46 =	vmul.f32 v3, v2;
	v0 =	vadd.f32 v0, v45;
	_ =	sdelay $0x1  }
0xd0: {  	v47 =	vbroadcast v4, $0xF;
	v1 =	vsub.f32 $1.500000000e+00, v46;
	[tilespmem:s17+$0x1470] =	vst v0  }
0xd1: {  	v0 =	vld [tilespmem:$0x2800]  }
0xd2: {  	v48 =	vsub.f32 v8, v47;
	v1 =	vmul.f32 v1, v2  }
0xd3: {  	v49 =	vld [tilespmem:$0x2C00]  }
0xd4: {  	v2 =	vmul.f32 v1, v48;
	_ =	sdelay $0x1  }
0xd5: {  	v0 =	vmul.f32 v2, v0;
	_ =	sdelay $0x1  }
0xd6: {  	v0 =	vadd.f32 v0, v49;
	_ =	sdelay $0x1  }
0xd7: {  	[tilespmem:s18+$0x1400] =	vst v0  }
0xd8: {  	v0 =	vld [tilespmem:$0x2880]  }
0xd9: {  	v50 =	vsub.f32 v5, v47  }
0xda: {  	v51 =	vld [tilespmem:$0x2C80]  }
0xdb: {  	v2 =	vmul.f32 v1, v50;
	_ =	sdelay $0x1  }
0xdc: {  	v0 =	vmul.f32 v2, v0;
	_ =	sdelay $0x1  }
0xdd: {  	v0 =	vadd.f32 v0, v51;
	_ =	sdelay $0x1  }
0xde: {  	[tilespmem:s18+$0x1410] =	vst v0  }
0xdf: {  	v0 =	vld [tilespmem:$0x2900]  }
0xe0: {  	v52 =	vsub.f32 v21, v47  }
0xe1: {  	v53 =	vld [tilespmem:$0x2D00]  }
0xe2: {  	v2 =	vmul.f32 v1, v52;
	_ =	sdelay $0x1  }
0xe3: {  	v0 =	vmul.f32 v2, v0;
	_ =	sdelay $0x1  }
0xe4: {  	v0 =	vadd.f32 v0, v53;
	_ =	sdelay $0x1  }
0xe5: {  	[tilespmem:s18+$0x1420] =	vst v0  }
0xe6: {  	v0 =	vld [tilespmem:$0x2980]  }
0xe7: {  	v54 =	vsub.f32 v12, v47  }
0xe8: {  	v55 =	vld [tilespmem:$0x2D80]  }
0xe9: {  	v2 =	vmul.f32 v1, v54;
	_ =	sdelay $0x1  }
0xea: {  	v0 =	vmul.f32 v2, v0;
	_ =	sdelay $0x1  }
0xeb: {  	v0 =	vadd.f32 v0, v55;
	_ =	sdelay $0x1  }
0xec: {  	[tilespmem:s18+$0x1430] =	vst v0  }
0xed: {  	v0 =	vld [tilespmem:$0x2A00]  }
0xee: {  	v56 =	vsub.f32 v17, v47  }
0xef: {  	v57 =	vld [tilespmem:$0x2E00]  }
0xf0: {  	v2 =	vmul.f32 v1, v56;
	_ =	sdelay $0x1  }
0xf1: {  	v0 =	vmul.f32 v2, v0;
	_ =	sdelay $0x1  }
0xf2: {  	v0 =	vadd.f32 v0, v57;
	_ =	sdelay $0x1  }
0xf3: {  	[tilespmem:s18+$0x1440] =	vst v0  }
0xf4: {  	v0 =	vld [tilespmem:$0x2A80]  }
0xf5: {  	v58 =	vsub.f32 v18, v47  }
0xf6: {  	v59 =	vld [tilespmem:$0x2E80]  }
0xf7: {  	v2 =	vmul.f32 v1, v58;
	_ =	sdelay $0x1  }
0xf8: {  	v0 =	vmul.f32 v2, v0;
	_ =	sdelay $0x1  }
0xf9: {  	v0 =	vadd.f32 v0, v59;
	_ =	sdelay $0x1  }
0xfa: {  	[tilespmem:s18+$0x1450] =	vst v0  }
0xfb: {  	v0 =	vld [tilespmem:$0x2B00]  }
0xfc: {  	v60 =	vsub.f32 v26, v47  }
0xfd: {  	v61 =	vld [tilespmem:$0x2F00]  }
0xfe: {  	v2 =	vmul.f32 v1, v60;
	_ =	sdelay $0x1  }
0xff: {  	v0 =	vmul.f32 v2, v0;
	_ =	sdelay $0x1  }
0x100: {  	v0 =	vadd.f32 v0, v61;
	_ =	sdelay $0x1  }
0x101: {  	[tilespmem:s18+$0x1460] =	vst v0  }
0x102: {  	v0 =	vld [tilespmem:$0x2B80]  }
0x103: {  	v62 =	vsub.f32 v27, v47  }
0x104: {  	v63 =	vld [tilespmem:$0x2F80]  }
0x105: {  	v1 =	vmul.f32 v1, v62;
	_ =	sdelay $0x1  }
0x106: {  	v0 =	vmul.f32 v1, v0;
	_ =	sdelay $0x1  }
0x107: {  	s16 =	smul.u32 $0x280, s16;
	v0 =	vadd.f32 v0, v63;
	_ =	sdelay $0x1  }
.Ltmp6:
0x108: {  	s16 =	sadd.s32 s7, s16;
	[tilespmem:s18+$0x1470] =	vst v0;
	(pc) =	sbr.rel .LBB2_6-.Ltmp6, $4  }
0x109: {  	[hbm4b:s16+s3] =	stream.linear.scatter [tilespmem:s14], [sflag:$0x1], $0x1400, $0x38;
	[tilespmem:$0x3000] =	vst v63  }
0x10a: {  	_ =	swait.ge [sflag:s11], $0x1400  }
0x10b: {  	[sflag:s11] =	ssyncset.done $0x0  }
0x10c: {  	[sflag:s11] =	ssyncadd.s32 $0xFFFFEC00  }
.LBB2_8:
0x10d: {  	_ =	sfence.sel $0x180000  }
0x10e: {  	[bflag:$0x0] =	sbarrier.arrive $0xFFFF  }
0x10f: {  	p0 =	sne.s32 s5, $0x0;
	_ =	strace $0x90000047  }
0x110: {  	s0 =	sadd.s32 @!p0 $0x100000, s0;
	[bflag:$0x2] =	sbarrier.arrive $0xFFFF  }
0x111: {  	[sflag:s0] =	ssyncadd.tile.s32 @!p0 $0x1;
	_ =	shalt  }
.Lfunc_end2:
_tile_overlayer_lowered:
.L_overlay_start_2:
0x112: {  	(tag) =	ssettag $0x2  }
0x113: {  	s0 =	rddreg [dreg:$0x0];
	s2 =	stileid.u32  }
0x114: {  	s1 =	rddreg [dreg:$0x1];
	p0 =	sne.s32 s2, $0x0  }
0x115: {  	s3 =	rddreg [dreg:$0x2];
	[bflag:$0x3] =	sbarrier.arrive $0xFFFF;
	s2 =	simm.s32 @!p0 $0x1C01  }
0x116: {  	[timem:s3], [sflag:s2] =	dma.local @!p0 [hbm:s0], s1  }
0x117: {  	s0 =	simm.s32 @!p0 $0x1  }
0x118: {  	_ =	swait.ge @!p0 [sflag:s0], s1  }
0x119: {  	s1 =	ssub.s32 @!p0 $0x0, s1;
	[sflag:s0] =	ssyncset.done @!p0 $0x0  }
0x11a: {  	[sflag:s0] =	ssyncadd.s32 @!p0 s1  }
0x11b: {  	[bflag:$0x3] =	sbarrier.arrive $0xFFFF  }
0x11c: {  	_ =	shalt  }

</sc_bundles>
